<compile_context>
chip_gen: v7x
topology: tpu7x:2x2x1
jax: 0.10.2.dev20260603
libtpu: 0.0.44.dev20260713+nightly
codegen_flags: <defaults>
</compile_context>

<pallas_src>
import functools
import math

import jax
import jax.numpy as jnp
from jax import lax
from jax.experimental import pallas as pl
from jax.experimental.pallas import tpu as pltpu
from jax.experimental.pallas import tpu_sc as plsc

D_MODEL = 64
DPAD = 128
SCALE = math.sqrt(D_MODEL)

NC, NS, L = 2, 16, 16
NW = NC * NS

NBUF = 4
SUB = ((0, 104), (104, 96))


def _make_format_kernel(V):
    full_chunks = V // DPAD
    tail_cols = V - full_chunks * DPAD
    iters = ((full_chunks + NW - 1) // NW + 1) // 2 * 2
    mesh = plsc.VectorSubcoreMesh(core_axis_name="c", subcore_axis_name="s")

    scratch = [pltpu.VMEM((D_MODEL, DPAD), jnp.float32) for _ in range(4)]
    scratch += [pltpu.SemaphoreType.DMA for _ in range(4)]

    @functools.partial(
        pl.kernel,
        out_type=jax.ShapeDtypeStruct((V // 2, DPAD), jnp.float32),
        mesh=mesh,
        scratch_types=scratch,
        compiler_params=pltpu.CompilerParams(
            use_tc_tiling_on_sc=True, needs_layout_passes=False
        ),
    )
    def fmt_kernel(wt_hbm, out_hbm, *bufs_and_sems):
        ins = bufs_and_sems[0:2]
        outs = bufs_and_sems[2:4]
        rsem = bufs_and_sems[4:6]
        wsem = bufs_and_sems[6:8]

        wid = lax.axis_index("s") * NC + lax.axis_index("c")
        lanes = lax.iota(jnp.int32, L)

        def chunk_of(i):
            c = wid + i * NW
            return jnp.minimum(c, full_chunks - 1)

        def fire_read(i, b):
            c = chunk_of(i)
            pltpu.async_copy(
                wt_hbm.at[pl.ds(0, D_MODEL), pl.ds(c * DPAD, DPAD)],
                ins[b],
                rsem[b],
            )

        def wait_read(b):
            pltpu.make_async_copy(
                wt_hbm.at[pl.ds(0, D_MODEL), pl.ds(0, DPAD)], ins[b], rsem[b]
            ).wait()

        def wait_write(b):
            pltpu.make_async_copy(outs[b], out_hbm.at[pl.ds(0, D_MODEL)], wsem[b]).wait()

        rows16s = [lanes + (16 * k) % D_MODEL for k in range(DPAD // L)]
        zeros16 = jnp.full((L,), 0, jnp.int32)

        def transpose_scale(b, nrows):
            src = ins[b]
            dst = outs[b]

            @plsc.parallel_loop(0, nrows, unroll=16)
            def _(j):
                c0 = zeros16 + 2 * j
                c1 = c0 + 1
                for k in range(DPAD // L):
                    cols16 = c0 if k < D_MODEL // L else c1
                    v = plsc.load_gather(src, [rows16s[k], cols16])
                    dst[j, pl.ds(k * L, L)] = v * SCALE

        fire_read(0, 0)

        def body(i0, carry):
            for b in range(2):
                i = i0 * 2 + b
                nb = 1 - b

                @pl.when(i + 1 < iters)
                def _():
                    fire_read(i + 1, nb)

                wait_read(b)

                @pl.when(i >= 2)
                def _():
                    wait_write(b)

                transpose_scale(b, D_MODEL)
                c = chunk_of(i)
                pltpu.async_copy(
                    outs[b], out_hbm.at[pl.ds(c * D_MODEL, D_MODEL)], wsem[b]
                )
            return carry

        lax.fori_loop(0, iters // 2, body, 0)
        wait_write(0)
        wait_write(1)

    return fmt_kernel


def _make_lookup_kernel(B0, S, V):
    seq_per_w = B0 // NW
    G = seq_per_w * len(SUB)
    assert G % NBUF == 0
    cmax = max(c for _, c in SUB)
    mesh = plsc.VectorSubcoreMesh(core_axis_name="c", subcore_axis_name="s")

    scratch = [pltpu.VMEM((seq_per_w, S), jnp.int32)]
    scratch += [pltpu.VMEM((cmax, D_MODEL), jnp.float32) for _ in range(NBUF)]
    scratch += [pltpu.SemaphoreType.DMA for _ in range(2 * NBUF)]

    @functools.partial(
        pl.kernel,
        out_type=jax.ShapeDtypeStruct((B0, S, DPAD), jnp.float32),
        mesh=mesh,
        scratch_types=scratch,
        compiler_params=pltpu.CompilerParams(use_tc_tiling_on_sc=False),
    )
    def emb_kernel(x_hbm, w_hbm, out_hbm, idx_v, *bufs_and_sems):
        rows = bufs_and_sems[:NBUF]
        gsem = bufs_and_sems[NBUF:2 * NBUF]
        ssem = bufs_and_sems[2 * NBUF:]

        wid = lax.axis_index("s") * NC + lax.axis_index("c")
        s0 = wid * seq_per_w

        pltpu.sync_copy(x_hbm.at[pl.ds(s0, seq_per_w)], idx_v)

        def fire_gather(lseq, h, b):
            off, cnt = SUB[h]
            pltpu.async_copy(
                w_hbm.at[idx_v.at[lseq, pl.ds(off, cnt)]],
                rows[b].at[pl.ds(0, cnt)],
                gsem[b],
            )

        def drain_gather(h, b):
            off, cnt = SUB[h]
            pltpu.make_async_copy(
                w_hbm.at[idx_v.at[0, pl.ds(off, cnt)]],
                rows[b].at[pl.ds(0, cnt)],
                gsem[b],
            ).wait()

        def drain_scatter(h, b):
            off, cnt = SUB[h]
            pltpu.make_async_copy(
                rows[b].at[pl.ds(0, cnt)],
                out_hbm.at[0, pl.ds(off, cnt), pl.ds(0, D_MODEL)],
                ssem[b],
            ).wait()

        fire_gather(0, 0, 0)

        def outer(g0, carry):
            for b in range(NBUF):
                gg = g0 * NBUF + b
                h = b % 2
                nh = (b + 1) % 2
                nb = (b + 1) % NBUF
                lseq = g0 * (NBUF // 2) + b // 2
                seq = s0 + lseq
                nlseq = lseq + (1 if h == 1 else 0)

                @pl.when(gg >= NBUF - 1)
                def _():
                    drain_scatter(nh, nb)

                @pl.when(gg + 1 < G)
                def _():
                    fire_gather(nlseq, nh, nb)

                drain_gather(h, b)
                off, cnt = SUB[h]
                pltpu.async_copy(
                    rows[b].at[pl.ds(0, cnt)],
                    out_hbm.at[seq, pl.ds(off, cnt), pl.ds(0, D_MODEL)],
                    ssem[b],
                )
            return carry

        lax.fori_loop(0, G // NBUF, outer, 0)

        for b in range(1, NBUF):
            drain_scatter(b % 2, b)

    return emb_kernel


def kernel(x, W):
    B0, S = x.shape
    V = W.shape[0]
    w_pad = jnp.pad(W * jnp.float32(SCALE), ((0, 0), (0, DPAD - D_MODEL)))
    w_lin = w_pad.reshape(2 * V, D_MODEL)
    x2 = x.astype(jnp.int32) * 2
    out = _make_lookup_kernel(B0, S, V)(x2, w_lin)
    return out[:, :, :D_MODEL]

# --- scband reference (transcript-rebuilt; emitter-appended) ---
"""Pipeline reference for scband-input-embeddings-1606317768892 (READ-ONLY COPY).

The authoritative reference and input builder live on the scoring server;
editing this copy changes nothing except your own understanding.
"""

import jax, jax.numpy as jnp
import numpy as np
import math

D_MODEL = 64
VOCAB_SIZE = 1000000

def setup_inputs(seed: int = 0) -> dict:
    key = jax.random.key(seed)
    k_idx, k_w = jax.random.split(key)
    x = jax.random.randint(k_idx, (4096, 200), 0, VOCAB_SIZE, dtype=jnp.int64 if jax.config.jax_enable_x64 else jnp.int32)
    W = jax.random.normal(k_w, (VOCAB_SIZE, D_MODEL), dtype=jnp.float32)
    return {"x": x, "W": W}

def reference(x, W):
    # nn.Embedding lookup followed by scaling by sqrt(d_model)
    emb = jnp.take(W, x, axis=0)
    return emb * math.sqrt(D_MODEL)

if __name__ == "__main__":
    import jax
    _d = setup_inputs()
    print(jax.jit(kernel)(*tuple(_d.values())))

</pallas_src>

<mosaic_0001>
#map = affine_map<(d0, d1) -> (0, 0)>
#map1 = affine_map<(d0, d1) -> (0, 0, 0)>
module attributes {stable_mosaic.version = 14 : i64} {
  func.func @emb_kernel(%arg0: i32, %arg1: i32, %arg2: memref<4096x200xi32, #tpu.memory_space<hbm>>, %arg3: memref<2000000x64xf32, #tpu.memory_space<hbm>>, %arg4: memref<4096x200x128xf32, #tpu.memory_space<hbm>>, %arg5: memref<128x200xi32, #tpu.memory_space<vmem>>, %arg6: memref<104x64xf32, #tpu.memory_space<vmem>>, %arg7: memref<104x64xf32, #tpu.memory_space<vmem>>, %arg8: memref<104x64xf32, #tpu.memory_space<vmem>>, %arg9: memref<104x64xf32, #tpu.memory_space<vmem>>, %arg10: memref<!tpu.dma_semaphore, #tpu.memory_space<semaphore_mem>>, %arg11: memref<!tpu.dma_semaphore, #tpu.memory_space<semaphore_mem>>, %arg12: memref<!tpu.dma_semaphore, #tpu.memory_space<semaphore_mem>>, %arg13: memref<!tpu.dma_semaphore, #tpu.memory_space<semaphore_mem>>, %arg14: memref<!tpu.dma_semaphore, #tpu.memory_space<semaphore_mem>>, %arg15: memref<!tpu.dma_semaphore, #tpu.memory_space<semaphore_mem>>, %arg16: memref<!tpu.dma_semaphore, #tpu.memory_space<semaphore_mem>>, %arg17: memref<!tpu.dma_semaphore, #tpu.memory_space<semaphore_mem>>) attributes {dimension_semantics = [#tpu.dimension_semantics<core_parallel>, #tpu.dimension_semantics<subcore_parallel>], iteration_bounds = array<i64: 2, 16>, scalar_prefetch = 0 : i64, scratch_operands = 13 : i64, tpu.core_type = #tpu.core_type<sc_vector_subcore>, window_params = [{transform_indices = #map}, {transform_indices = #map}, {transform_indices = #map1}]} {
    %mul3A = arith.constant 2 : i32
    %mul3A_0 = arith.muli %arg1, %mul3A : i32
    %add3A = arith.addi %mul3A_0, %arg0 : i32
    %mul3A_1 = arith.constant 128 : i32
    %mul3A_2 = arith.muli %add3A, %mul3A_1 : i32
    "tpu.region"() ({
      %run_scoped3A = tpu.sem_alloc : memref<!tpu.dma_semaphore, #tpu.memory_space<semaphore_mem>>
      %dma_start3A_61 = arith.constant 0 : i32
      %dma_start3A_62 = tpu.memref_slice %arg2[%mul3A_2, %dma_start3A_61] : memref<4096x200xi32, #tpu.memory_space<hbm>> -> memref<128x200xi32, #tpu.memory_space<hbm>>
      %dma_start3A_63 = arith.constant 0 : i32
      %dma_start3A_64 = tpu.memref_slice %arg2[%mul3A_2, %dma_start3A_63] : memref<4096x200xi32, #tpu.memory_space<hbm>> -> memref<128x200xi32, #tpu.memory_space<hbm>>
      tpu.enqueue_dma source(%dma_start3A_64 : memref<128x200xi32, #tpu.memory_space<hbm>>) target(%arg5 : memref<128x200xi32, #tpu.memory_space<vmem>>) target_semaphore(%run_scoped3A : memref<!tpu.dma_semaphore, #tpu.memory_space<semaphore_mem>>)
      %dma_wait3A_65 = arith.constant 0 : i32
      %dma_wait3A_66 = tpu.memref_slice %arg2[%mul3A_2, %dma_wait3A_65] : memref<4096x200xi32, #tpu.memory_space<hbm>> -> memref<128x200xi32, #tpu.memory_space<hbm>>
      %dma_wait3A_67 = arith.constant 0 : i32
      %dma_wait3A_68 = tpu.memref_slice %arg2[%mul3A_2, %dma_wait3A_67] : memref<4096x200xi32, #tpu.memory_space<hbm>> -> memref<128x200xi32, #tpu.memory_space<hbm>>
      tpu.wait_dma2 semaphore(%run_scoped3A : memref<!tpu.dma_semaphore, #tpu.memory_space<semaphore_mem>>) src(%dma_wait3A_68 : memref<128x200xi32, #tpu.memory_space<hbm>>) dst(%arg5 : memref<128x200xi32, #tpu.memory_space<vmem>>)
      tpu.yield
    }) : () -> ()
    %dma_start3A = arith.constant 0 : i32
    %dma_start3A_3 = arith.constant 0 : i32
    %dma_start3A_4 = arith.constant 0 : i32
    %dma_start3A_5 = tpu.memref_slice %arg6[%dma_start3A_3, %dma_start3A_4] : memref<104x64xf32, #tpu.memory_space<vmem>> -> memref<104x64xf32, #tpu.memory_space<vmem>>
    %dma_start3A_6 = arith.constant 0 : i32
    %dma_start3A_7 = tpu.memref_slice %arg5[%dma_start3A, %dma_start3A_6] : memref<128x200xi32, #tpu.memory_space<vmem>> -> memref<1x104xi32, #tpu.memory_space<vmem>>
    %dma_start3A_8 = tpu.memref_squeeze %dma_start3A_7 : memref<1x104xi32, #tpu.memory_space<vmem>> -> memref<104xi32, #tpu.memory_space<vmem>>
    %dma_start3A_9 = arith.constant 0 : i32
    %dma_start3A_10 = arith.constant 0 : i32
    %dma_start3A_11 = tpu.memref_slice %arg3[%dma_start3A_9, %dma_start3A_10] : memref<2000000x64xf32, #tpu.memory_space<hbm>> -> memref<2000000x64xf32, #tpu.memory_space<hbm>>
    tpu.enqueue_indirect_dma source(%dma_start3A_11 : memref<2000000x64xf32, #tpu.memory_space<hbm>>) target(%dma_start3A_5 : memref<104x64xf32, #tpu.memory_space<vmem>>) offsets(%dma_start3A_8 : memref<104xi32, #tpu.memory_space<vmem>>) semaphore(%arg10 : memref<!tpu.dma_semaphore, #tpu.memory_space<semaphore_mem>>)
    %scan3A = arith.constant 0 : i32
    %scan3A_12 = arith.constant 0 : i32
    %scan3A_13 = arith.constant 64 : i32
    %scan3A_14 = arith.addi %scan3A_12, %scan3A_13 : i32
    %scan3A_15 = arith.constant 1 : i32
    scf.for %scan3A_61 = %scan3A_12 to %scan3A_14 step %scan3A_15  : i32 {
      %mul3A_62 = arith.constant 4 : i32
      %mul3A_63 = arith.muli %scan3A_61, %mul3A_62 : i32
      %add3A_64 = arith.constant 0 : i32
      %add3A_65 = arith.addi %mul3A_63, %add3A_64 : i32
      %mul3A_66 = arith.constant 2 : i32
      %mul3A_67 = arith.muli %scan3A_61, %mul3A_66 : i32
      %add3A_68 = arith.constant 0 : i32
      %add3A_69 = arith.addi %mul3A_67, %add3A_68 : i32
      %add3A_70 = arith.addi %mul3A_2, %add3A_69 : i32
      %add3A_71 = arith.constant 0 : i32
      %add3A_72 = arith.addi %add3A_69, %add3A_71 : i32
      %ge3A = arith.constant 3 : i32
      %ge3A_73 = arith.cmpi sge, %add3A_65, %ge3A : i32
      %convert_element_type3A = arith.extui %ge3A_73 : i1 to i32
      %cond3A = arith.constant 0 : i32
      %cond3A_74 = arith.cmpi ne, %convert_element_type3A, %cond3A : i32
      scf.if %cond3A_74 {
        %dma_wait3A_246 = arith.constant 0 : i32
        %dma_wait3A_247 = arith.constant 0 : i32
        %dma_wait3A_248 = arith.constant 0 : i32
        %dma_wait3A_249 = tpu.memref_slice %arg7[%dma_wait3A_247, %dma_wait3A_248] : memref<104x64xf32, #tpu.memory_space<vmem>> -> memref<96x64xf32, #tpu.memory_space<vmem>>
        %dma_wait3A_250 = arith.constant 104 : i32
        %dma_wait3A_251 = arith.constant 0 : i32
        %dma_wait3A_252 = tpu.memref_slice %arg4[%dma_wait3A_246, %dma_wait3A_250, %dma_wait3A_251] : memref<4096x200x128xf32, #tpu.memory_space<hbm>> -> memref<1x96x64xf32, #tpu.memory_space<hbm>>
        %dma_wait3A_253 = tpu.memref_squeeze %dma_wait3A_252 : memref<1x96x64xf32, #tpu.memory_space<hbm>> -> memref<96x64xf32, #tpu.memory_space<hbm>>
        %dma_wait3A_254 = arith.constant 104 : i32
        %dma_wait3A_255 = arith.constant 0 : i32
        %dma_wait3A_256 = tpu.memref_slice %arg4[%dma_wait3A_246, %dma_wait3A_254, %dma_wait3A_255] : memref<4096x200x128xf32, #tpu.memory_space<hbm>> -> memref<1x96x64xf32, #tpu.memory_space<hbm>>
        %dma_wait3A_257 = tpu.memref_squeeze %dma_wait3A_256 : memref<1x96x64xf32, #tpu.memory_space<hbm>> -> memref<96x64xf32, #tpu.memory_space<hbm>>
        %dma_wait3A_258 = arith.constant 0 : i32
        %dma_wait3A_259 = arith.constant 0 : i32
        %dma_wait3A_260 = tpu.memref_slice %arg7[%dma_wait3A_258, %dma_wait3A_259] : memref<104x64xf32, #tpu.memory_space<vmem>> -> memref<96x64xf32, #tpu.memory_space<vmem>>
        tpu.wait_dma2 semaphore(%arg15 : memref<!tpu.dma_semaphore, #tpu.memory_space<semaphore_mem>>) src(%dma_wait3A_260 : memref<96x64xf32, #tpu.memory_space<vmem>>) dst(%dma_wait3A_257 : memref<96x64xf32, #tpu.memory_space<hbm>>)
      } else {
      }
      %add3A_75 = arith.constant 1 : i32
      %add3A_76 = arith.addi %add3A_65, %add3A_75 : i32
      %lt3A = arith.constant 256 : i32
      %lt3A_77 = arith.cmpi slt, %add3A_76, %lt3A : i32
      %convert_element_type3A_78 = arith.extui %lt3A_77 : i1 to i32
      %cond3A_79 = arith.constant 0 : i32
      %cond3A_80 = arith.cmpi ne, %convert_element_type3A_78, %cond3A_79 : i32
      scf.if %cond3A_80 {
        %dma_start3A_246 = arith.constant 0 : i32
        %dma_start3A_247 = arith.constant 0 : i32
        %dma_start3A_248 = tpu.memref_slice %arg7[%dma_start3A_246, %dma_start3A_247] : memref<104x64xf32, #tpu.memory_space<vmem>> -> memref<96x64xf32, #tpu.memory_space<vmem>>
        %dma_start3A_249 = arith.constant 104 : i32
        %dma_start3A_250 = tpu.memref_slice %arg5[%add3A_72, %dma_start3A_249] : memref<128x200xi32, #tpu.memory_space<vmem>> -> memref<1x96xi32, #tpu.memory_space<vmem>>
        %dma_start3A_251 = tpu.memref_squeeze %dma_start3A_250 : memref<1x96xi32, #tpu.memory_space<vmem>> -> memref<96xi32, #tpu.memory_space<vmem>>
        %dma_start3A_252 = arith.constant 0 : i32
        %dma_start3A_253 = arith.constant 0 : i32
        %dma_start3A_254 = tpu.memref_slice %arg3[%dma_start3A_252, %dma_start3A_253] : memref<2000000x64xf32, #tpu.memory_space<hbm>> -> memref<2000000x64xf32, #tpu.memory_space<hbm>>
        tpu.enqueue_indirect_dma source(%dma_start3A_254 : memref<2000000x64xf32, #tpu.memory_space<hbm>>) target(%dma_start3A_248 : memref<96x64xf32, #tpu.memory_space<vmem>>) offsets(%dma_start3A_251 : memref<96xi32, #tpu.memory_space<vmem>>) semaphore(%arg11 : memref<!tpu.dma_semaphore, #tpu.memory_space<semaphore_mem>>)
      } else {
      }
      %dma_wait3A_81 = arith.constant 0 : i32
      %dma_wait3A_82 = arith.constant 0 : i32
      %dma_wait3A_83 = arith.constant 0 : i32
      %dma_wait3A_84 = tpu.memref_slice %arg6[%dma_wait3A_82, %dma_wait3A_83] : memref<104x64xf32, #tpu.memory_space<vmem>> -> memref<104x64xf32, #tpu.memory_space<vmem>>
      %dma_wait3A_85 = arith.constant 0 : i32
      %dma_wait3A_86 = tpu.memref_slice %arg5[%dma_wait3A_81, %dma_wait3A_85] : memref<128x200xi32, #tpu.memory_space<vmem>> -> memref<1x104xi32, #tpu.memory_space<vmem>>
      %dma_wait3A_87 = tpu.memref_squeeze %dma_wait3A_86 : memref<1x104xi32, #tpu.memory_space<vmem>> -> memref<104xi32, #tpu.memory_space<vmem>>
      %dma_wait3A_88 = arith.constant 0 : i32
      %dma_wait3A_89 = arith.constant 0 : i32
      %dma_wait3A_90 = tpu.memref_slice %arg3[%dma_wait3A_88, %dma_wait3A_89] : memref<2000000x64xf32, #tpu.memory_space<hbm>> -> memref<2000000x64xf32, #tpu.memory_space<hbm>>
      tpu.wait_indirect_dma semaphore(%arg10 : memref<!tpu.dma_semaphore, #tpu.memory_space<semaphore_mem>>) src(%dma_wait3A_90 : memref<2000000x64xf32, #tpu.memory_space<hbm>>) dst(%dma_wait3A_84 : memref<104x64xf32, #tpu.memory_space<vmem>>)
      %dma_start3A_91 = arith.constant 0 : i32
      %dma_start3A_92 = arith.constant 0 : i32
      %dma_start3A_93 = tpu.memref_slice %arg6[%dma_start3A_91, %dma_start3A_92] : memref<104x64xf32, #tpu.memory_space<vmem>> -> memref<104x64xf32, #tpu.memory_space<vmem>>
      %dma_start3A_94 = arith.constant 0 : i32
      %dma_start3A_95 = arith.constant 0 : i32
      %dma_start3A_96 = tpu.memref_slice %arg4[%add3A_70, %dma_start3A_94, %dma_start3A_95] : memref<4096x200x128xf32, #tpu.memory_space<hbm>> -> memref<1x104x64xf32, #tpu.memory_space<hbm>>
      %dma_start3A_97 = tpu.memref_squeeze %dma_start3A_96 : memref<1x104x64xf32, #tpu.memory_space<hbm>> -> memref<104x64xf32, #tpu.memory_space<hbm>>
      %dma_start3A_98 = arith.constant 0 : i32
      %dma_start3A_99 = arith.constant 0 : i32
      %dma_start3A_100 = tpu.memref_slice %arg4[%add3A_70, %dma_start3A_98, %dma_start3A_99] : memref<4096x200x128xf32, #tpu.memory_space<hbm>> -> memref<1x104x64xf32, #tpu.memory_space<hbm>>
      %dma_start3A_101 = tpu.memref_squeeze %dma_start3A_100 : memref<1x104x64xf32, #tpu.memory_space<hbm>> -> memref<104x64xf32, #tpu.memory_space<hbm>>
      %dma_start3A_102 = arith.constant 0 : i32
      %dma_start3A_103 = arith.constant 0 : i32
      %dma_start3A_104 = tpu.memref_slice %arg6[%dma_start3A_102, %dma_start3A_103] : memref<104x64xf32, #tpu.memory_space<vmem>> -> memref<104x64xf32, #tpu.memory_space<vmem>>
      tpu.enqueue_dma source(%dma_start3A_104 : memref<104x64xf32, #tpu.memory_space<vmem>>) target(%dma_start3A_101 : memref<104x64xf32, #tpu.memory_space<hbm>>) target_semaphore(%arg14 : memref<!tpu.dma_semaphore, #tpu.memory_space<semaphore_mem>>)
      %mul3A_105 = arith.constant 4 : i32
      %mul3A_106 = arith.muli %scan3A_61, %mul3A_105 : i32
      %add3A_107 = arith.constant 1 : i32
      %add3A_108 = arith.addi %mul3A_106, %add3A_107 : i32
      %mul3A_109 = arith.constant 2 : i32
      %mul3A_110 = arith.muli %scan3A_61, %mul3A_109 : i32
      %add3A_111 = arith.constant 0 : i32
      %add3A_112 = arith.addi %mul3A_110, %add3A_111 : i32
      %add3A_113 = arith.addi %mul3A_2, %add3A_112 : i32
      %add3A_114 = arith.constant 1 : i32
      %add3A_115 = arith.addi %add3A_112, %add3A_114 : i32
      %ge3A_116 = arith.constant 3 : i32
      %ge3A_117 = arith.cmpi sge, %add3A_108, %ge3A_116 : i32
      %convert_element_type3A_118 = arith.extui %ge3A_117 : i1 to i32
      %cond3A_119 = arith.constant 0 : i32
      %cond3A_120 = arith.cmpi ne, %convert_element_type3A_118, %cond3A_119 : i32
      scf.if %cond3A_120 {
        %dma_wait3A_246 = arith.constant 0 : i32
        %dma_wait3A_247 = arith.constant 0 : i32
        %dma_wait3A_248 = arith.constant 0 : i32
        %dma_wait3A_249 = tpu.memref_slice %arg8[%dma_wait3A_247, %dma_wait3A_248] : memref<104x64xf32, #tpu.memory_space<vmem>> -> memref<104x64xf32, #tpu.memory_space<vmem>>
        %dma_wait3A_250 = arith.constant 0 : i32
        %dma_wait3A_251 = arith.constant 0 : i32
        %dma_wait3A_252 = tpu.memref_slice %arg4[%dma_wait3A_246, %dma_wait3A_250, %dma_wait3A_251] : memref<4096x200x128xf32, #tpu.memory_space<hbm>> -> memref<1x104x64xf32, #tpu.memory_space<hbm>>
        %dma_wait3A_253 = tpu.memref_squeeze %dma_wait3A_252 : memref<1x104x64xf32, #tpu.memory_space<hbm>> -> memref<104x64xf32, #tpu.memory_space<hbm>>
        %dma_wait3A_254 = arith.constant 0 : i32
        %dma_wait3A_255 = arith.constant 0 : i32
        %dma_wait3A_256 = tpu.memref_slice %arg4[%dma_wait3A_246, %dma_wait3A_254, %dma_wait3A_255] : memref<4096x200x128xf32, #tpu.memory_space<hbm>> -> memref<1x104x64xf32, #tpu.memory_space<hbm>>
        %dma_wait3A_257 = tpu.memref_squeeze %dma_wait3A_256 : memref<1x104x64xf32, #tpu.memory_space<hbm>> -> memref<104x64xf32, #tpu.memory_space<hbm>>
        %dma_wait3A_258 = arith.constant 0 : i32
        %dma_wait3A_259 = arith.constant 0 : i32
        %dma_wait3A_260 = tpu.memref_slice %arg8[%dma_wait3A_258, %dma_wait3A_259] : memref<104x64xf32, #tpu.memory_space<vmem>> -> memref<104x64xf32, #tpu.memory_space<vmem>>
        tpu.wait_dma2 semaphore(%arg16 : memref<!tpu.dma_semaphore, #tpu.memory_space<semaphore_mem>>) src(%dma_wait3A_260 : memref<104x64xf32, #tpu.memory_space<vmem>>) dst(%dma_wait3A_257 : memref<104x64xf32, #tpu.memory_space<hbm>>)
      } else {
      }
      %add3A_121 = arith.constant 1 : i32
      %add3A_122 = arith.addi %add3A_108, %add3A_121 : i32
      %lt3A_123 = arith.constant 256 : i32
      %lt3A_124 = arith.cmpi slt, %add3A_122, %lt3A_123 : i32
      %convert_element_type3A_125 = arith.extui %lt3A_124 : i1 to i32
      %cond3A_126 = arith.constant 0 : i32
      %cond3A_127 = arith.cmpi ne, %convert_element_type3A_125, %cond3A_126 : i32
      scf.if %cond3A_127 {
        %dma_start3A_246 = arith.constant 0 : i32
        %dma_start3A_247 = arith.constant 0 : i32
        %dma_start3A_248 = tpu.memref_slice %arg8[%dma_start3A_246, %dma_start3A_247] : memref<104x64xf32, #tpu.memory_space<vmem>> -> memref<104x64xf32, #tpu.memory_space<vmem>>
        %dma_start3A_249 = arith.constant 0 : i32
        %dma_start3A_250 = tpu.memref_slice %arg5[%add3A_115, %dma_start3A_249] : memref<128x200xi32, #tpu.memory_space<vmem>> -> memref<1x104xi32, #tpu.memory_space<vmem>>
        %dma_start3A_251 = tpu.memref_squeeze %dma_start3A_250 : memref<1x104xi32, #tpu.memory_space<vmem>> -> memref<104xi32, #tpu.memory_space<vmem>>
        %dma_start3A_252 = arith.constant 0 : i32
        %dma_start3A_253 = arith.constant 0 : i32
        %dma_start3A_254 = tpu.memref_slice %arg3[%dma_start3A_252, %dma_start3A_253] : memref<2000000x64xf32, #tpu.memory_space<hbm>> -> memref<2000000x64xf32, #tpu.memory_space<hbm>>
        tpu.enqueue_indirect_dma source(%dma_start3A_254 : memref<2000000x64xf32, #tpu.memory_space<hbm>>) target(%dma_start3A_248 : memref<104x64xf32, #tpu.memory_space<vmem>>) offsets(%dma_start3A_251 : memref<104xi32, #tpu.memory_space<vmem>>) semaphore(%arg12 : memref<!tpu.dma_semaphore, #tpu.memory_space<semaphore_mem>>)
      } else {
      }
      %dma_wait3A_128 = arith.constant 0 : i32
      %dma_wait3A_129 = arith.constant 0 : i32
      %dma_wait3A_130 = arith.constant 0 : i32
      %dma_wait3A_131 = tpu.memref_slice %arg7[%dma_wait3A_129, %dma_wait3A_130] : memref<104x64xf32, #tpu.memory_space<vmem>> -> memref<96x64xf32, #tpu.memory_space<vmem>>
      %dma_wait3A_132 = arith.constant 104 : i32
      %dma_wait3A_133 = tpu.memref_slice %arg5[%dma_wait3A_128, %dma_wait3A_132] : memref<128x200xi32, #tpu.memory_space<vmem>> -> memref<1x96xi32, #tpu.memory_space<vmem>>
      %dma_wait3A_134 = tpu.memref_squeeze %dma_wait3A_133 : memref<1x96xi32, #tpu.memory_space<vmem>> -> memref<96xi32, #tpu.memory_space<vmem>>
      %dma_wait3A_135 = arith.constant 0 : i32
      %dma_wait3A_136 = arith.constant 0 : i32
      %dma_wait3A_137 = tpu.memref_slice %arg3[%dma_wait3A_135, %dma_wait3A_136] : memref<2000000x64xf32, #tpu.memory_space<hbm>> -> memref<2000000x64xf32, #tpu.memory_space<hbm>>
      tpu.wait_indirect_dma semaphore(%arg11 : memref<!tpu.dma_semaphore, #tpu.memory_space<semaphore_mem>>) src(%dma_wait3A_137 : memref<2000000x64xf32, #tpu.memory_space<hbm>>) dst(%dma_wait3A_131 : memref<96x64xf32, #tpu.memory_space<vmem>>)
      %dma_start3A_138 = arith.constant 0 : i32
      %dma_start3A_139 = arith.constant 0 : i32
      %dma_start3A_140 = tpu.memref_slice %arg7[%dma_start3A_138, %dma_start3A_139] : memref<104x64xf32, #tpu.memory_space<vmem>> -> memref<96x64xf32, #tpu.memory_space<vmem>>
      %dma_start3A_141 = arith.constant 104 : i32
      %dma_start3A_142 = arith.constant 0 : i32
      %dma_start3A_143 = tpu.memref_slice %arg4[%add3A_113, %dma_start3A_141, %dma_start3A_142] : memref<4096x200x128xf32, #tpu.memory_space<hbm>> -> memref<1x96x64xf32, #tpu.memory_space<hbm>>
      %dma_start3A_144 = tpu.memref_squeeze %dma_start3A_143 : memref<1x96x64xf32, #tpu.memory_space<hbm>> -> memref<96x64xf32, #tpu.memory_space<hbm>>
      %dma_start3A_145 = arith.constant 104 : i32
      %dma_start3A_146 = arith.constant 0 : i32
      %dma_start3A_147 = tpu.memref_slice %arg4[%add3A_113, %dma_start3A_145, %dma_start3A_146] : memref<4096x200x128xf32, #tpu.memory_space<hbm>> -> memref<1x96x64xf32, #tpu.memory_space<hbm>>
      %dma_start3A_148 = tpu.memref_squeeze %dma_start3A_147 : memref<1x96x64xf32, #tpu.memory_space<hbm>> -> memref<96x64xf32, #tpu.memory_space<hbm>>
      %dma_start3A_149 = arith.constant 0 : i32
      %dma_start3A_150 = arith.constant 0 : i32
      %dma_start3A_151 = tpu.memref_slice %arg7[%dma_start3A_149, %dma_start3A_150] : memref<104x64xf32, #tpu.memory_space<vmem>> -> memref<96x64xf32, #tpu.memory_space<vmem>>
      tpu.enqueue_dma source(%dma_start3A_151 : memref<96x64xf32, #tpu.memory_space<vmem>>) target(%dma_start3A_148 : memref<96x64xf32, #tpu.memory_space<hbm>>) target_semaphore(%arg15 : memref<!tpu.dma_semaphore, #tpu.memory_space<semaphore_mem>>)
      %mul3A_152 = arith.constant 4 : i32
      %mul3A_153 = arith.muli %scan3A_61, %mul3A_152 : i32
      %add3A_154 = arith.constant 2 : i32
      %add3A_155 = arith.addi %mul3A_153, %add3A_154 : i32
      %mul3A_156 = arith.constant 2 : i32
      %mul3A_157 = arith.muli %scan3A_61, %mul3A_156 : i32
      %add3A_158 = arith.constant 1 : i32
      %add3A_159 = arith.addi %mul3A_157, %add3A_158 : i32
      %add3A_160 = arith.addi %mul3A_2, %add3A_159 : i32
      %add3A_161 = arith.constant 0 : i32
      %add3A_162 = arith.addi %add3A_159, %add3A_161 : i32
      %ge3A_163 = arith.constant 3 : i32
      %ge3A_164 = arith.cmpi sge, %add3A_155, %ge3A_163 : i32
      %convert_element_type3A_165 = arith.extui %ge3A_164 : i1 to i32
      %cond3A_166 = arith.constant 0 : i32
      %cond3A_167 = arith.cmpi ne, %convert_element_type3A_165, %cond3A_166 : i32
      scf.if %cond3A_167 {
        %dma_wait3A_246 = arith.constant 0 : i32
        %dma_wait3A_247 = arith.constant 0 : i32
        %dma_wait3A_248 = arith.constant 0 : i32
        %dma_wait3A_249 = tpu.memref_slice %arg9[%dma_wait3A_247, %dma_wait3A_248] : memref<104x64xf32, #tpu.memory_space<vmem>> -> memref<96x64xf32, #tpu.memory_space<vmem>>
        %dma_wait3A_250 = arith.constant 104 : i32
        %dma_wait3A_251 = arith.constant 0 : i32
        %dma_wait3A_252 = tpu.memref_slice %arg4[%dma_wait3A_246, %dma_wait3A_250, %dma_wait3A_251] : memref<4096x200x128xf32, #tpu.memory_space<hbm>> -> memref<1x96x64xf32, #tpu.memory_space<hbm>>
        %dma_wait3A_253 = tpu.memref_squeeze %dma_wait3A_252 : memref<1x96x64xf32, #tpu.memory_space<hbm>> -> memref<96x64xf32, #tpu.memory_space<hbm>>
        %dma_wait3A_254 = arith.constant 104 : i32
        %dma_wait3A_255 = arith.constant 0 : i32
        %dma_wait3A_256 = tpu.memref_slice %arg4[%dma_wait3A_246, %dma_wait3A_254, %dma_wait3A_255] : memref<4096x200x128xf32, #tpu.memory_space<hbm>> -> memref<1x96x64xf32, #tpu.memory_space<hbm>>
        %dma_wait3A_257 = tpu.memref_squeeze %dma_wait3A_256 : memref<1x96x64xf32, #tpu.memory_space<hbm>> -> memref<96x64xf32, #tpu.memory_space<hbm>>
        %dma_wait3A_258 = arith.constant 0 : i32
        %dma_wait3A_259 = arith.constant 0 : i32
        %dma_wait3A_260 = tpu.memref_slice %arg9[%dma_wait3A_258, %dma_wait3A_259] : memref<104x64xf32, #tpu.memory_space<vmem>> -> memref<96x64xf32, #tpu.memory_space<vmem>>
        tpu.wait_dma2 semaphore(%arg17 : memref<!tpu.dma_semaphore, #tpu.memory_space<semaphore_mem>>) src(%dma_wait3A_260 : memref<96x64xf32, #tpu.memory_space<vmem>>) dst(%dma_wait3A_257 : memref<96x64xf32, #tpu.memory_space<hbm>>)
      } else {
      }
      %add3A_168 = arith.constant 1 : i32
      %add3A_169 = arith.addi %add3A_155, %add3A_168 : i32
      %lt3A_170 = arith.constant 256 : i32
      %lt3A_171 = arith.cmpi slt, %add3A_169, %lt3A_170 : i32
      %convert_element_type3A_172 = arith.extui %lt3A_171 : i1 to i32
      %cond3A_173 = arith.constant 0 : i32
      %cond3A_174 = arith.cmpi ne, %convert_element_type3A_172, %cond3A_173 : i32
      scf.if %cond3A_174 {
        %dma_start3A_246 = arith.constant 0 : i32
        %dma_start3A_247 = arith.constant 0 : i32
        %dma_start3A_248 = tpu.memref_slice %arg9[%dma_start3A_246, %dma_start3A_247] : memref<104x64xf32, #tpu.memory_space<vmem>> -> memref<96x64xf32, #tpu.memory_space<vmem>>
        %dma_start3A_249 = arith.constant 104 : i32
        %dma_start3A_250 = tpu.memref_slice %arg5[%add3A_162, %dma_start3A_249] : memref<128x200xi32, #tpu.memory_space<vmem>> -> memref<1x96xi32, #tpu.memory_space<vmem>>
        %dma_start3A_251 = tpu.memref_squeeze %dma_start3A_250 : memref<1x96xi32, #tpu.memory_space<vmem>> -> memref<96xi32, #tpu.memory_space<vmem>>
        %dma_start3A_252 = arith.constant 0 : i32
        %dma_start3A_253 = arith.constant 0 : i32
        %dma_start3A_254 = tpu.memref_slice %arg3[%dma_start3A_252, %dma_start3A_253] : memref<2000000x64xf32, #tpu.memory_space<hbm>> -> memref<2000000x64xf32, #tpu.memory_space<hbm>>
        tpu.enqueue_indirect_dma source(%dma_start3A_254 : memref<2000000x64xf32, #tpu.memory_space<hbm>>) target(%dma_start3A_248 : memref<96x64xf32, #tpu.memory_space<vmem>>) offsets(%dma_start3A_251 : memref<96xi32, #tpu.memory_space<vmem>>) semaphore(%arg13 : memref<!tpu.dma_semaphore, #tpu.memory_space<semaphore_mem>>)
      } else {
      }
      %dma_wait3A_175 = arith.constant 0 : i32
      %dma_wait3A_176 = arith.constant 0 : i32
      %dma_wait3A_177 = arith.constant 0 : i32
      %dma_wait3A_178 = tpu.memref_slice %arg8[%dma_wait3A_176, %dma_wait3A_177] : memref<104x64xf32, #tpu.memory_space<vmem>> -> memref<104x64xf32, #tpu.memory_space<vmem>>
      %dma_wait3A_179 = arith.constant 0 : i32
      %dma_wait3A_180 = tpu.memref_slice %arg5[%dma_wait3A_175, %dma_wait3A_179] : memref<128x200xi32, #tpu.memory_space<vmem>> -> memref<1x104xi32, #tpu.memory_space<vmem>>
      %dma_wait3A_181 = tpu.memref_squeeze %dma_wait3A_180 : memref<1x104xi32, #tpu.memory_space<vmem>> -> memref<104xi32, #tpu.memory_space<vmem>>
      %dma_wait3A_182 = arith.constant 0 : i32
      %dma_wait3A_183 = arith.constant 0 : i32
      %dma_wait3A_184 = tpu.memref_slice %arg3[%dma_wait3A_182, %dma_wait3A_183] : memref<2000000x64xf32, #tpu.memory_space<hbm>> -> memref<2000000x64xf32, #tpu.memory_space<hbm>>
      tpu.wait_indirect_dma semaphore(%arg12 : memref<!tpu.dma_semaphore, #tpu.memory_space<semaphore_mem>>) src(%dma_wait3A_184 : memref<2000000x64xf32, #tpu.memory_space<hbm>>) dst(%dma_wait3A_178 : memref<104x64xf32, #tpu.memory_space<vmem>>)
      %dma_start3A_185 = arith.constant 0 : i32
      %dma_start3A_186 = arith.constant 0 : i32
      %dma_start3A_187 = tpu.memref_slice %arg8[%dma_start3A_185, %dma_start3A_186] : memref<104x64xf32, #tpu.memory_space<vmem>> -> memref<104x64xf32, #tpu.memory_space<vmem>>
      %dma_start3A_188 = arith.constant 0 : i32
      %dma_start3A_189 = arith.constant 0 : i32
      %dma_start3A_190 = tpu.memref_slice %arg4[%add3A_160, %dma_start3A_188, %dma_start3A_189] : memref<4096x200x128xf32, #tpu.memory_space<hbm>> -> memref<1x104x64xf32, #tpu.memory_space<hbm>>
      %dma_start3A_191 = tpu.memref_squeeze %dma_start3A_190 : memref<1x104x64xf32, #tpu.memory_space<hbm>> -> memref<104x64xf32, #tpu.memory_space<hbm>>
      %dma_start3A_192 = arith.constant 0 : i32
      %dma_start3A_193 = arith.constant 0 : i32
      %dma_start3A_194 = tpu.memref_slice %arg4[%add3A_160, %dma_start3A_192, %dma_start3A_193] : memref<4096x200x128xf32, #tpu.memory_space<hbm>> -> memref<1x104x64xf32, #tpu.memory_space<hbm>>
      %dma_start3A_195 = tpu.memref_squeeze %dma_start3A_194 : memref<1x104x64xf32, #tpu.memory_space<hbm>> -> memref<104x64xf32, #tpu.memory_space<hbm>>
      %dma_start3A_196 = arith.constant 0 : i32
      %dma_start3A_197 = arith.constant 0 : i32
      %dma_start3A_198 = tpu.memref_slice %arg8[%dma_start3A_196, %dma_start3A_197] : memref<104x64xf32, #tpu.memory_space<vmem>> -> memref<104x64xf32, #tpu.memory_space<vmem>>
      tpu.enqueue_dma source(%dma_start3A_198 : memref<104x64xf32, #tpu.memory_space<vmem>>) target(%dma_start3A_195 : memref<104x64xf32, #tpu.memory_space<hbm>>) target_semaphore(%arg16 : memref<!tpu.dma_semaphore, #tpu.memory_space<semaphore_mem>>)
      %mul3A_199 = arith.constant 4 : i32
      %mul3A_200 = arith.muli %scan3A_61, %mul3A_199 : i32
      %add3A_201 = arith.constant 3 : i32
      %add3A_202 = arith.addi %mul3A_200, %add3A_201 : i32
      %mul3A_203 = arith.constant 2 : i32
      %mul3A_204 = arith.muli %scan3A_61, %mul3A_203 : i32
      %add3A_205 = arith.constant 1 : i32
      %add3A_206 = arith.addi %mul3A_204, %add3A_205 : i32
      %add3A_207 = arith.addi %mul3A_2, %add3A_206 : i32
      %add3A_208 = arith.constant 1 : i32
      %add3A_209 = arith.addi %add3A_206, %add3A_208 : i32
      %ge3A_210 = arith.constant 3 : i32
      %ge3A_211 = arith.cmpi sge, %add3A_202, %ge3A_210 : i32
      %convert_element_type3A_212 = arith.extui %ge3A_211 : i1 to i32
      %cond3A_213 = arith.constant 0 : i32
      %cond3A_214 = arith.cmpi ne, %convert_element_type3A_212, %cond3A_213 : i32
      scf.if %cond3A_214 {
        %dma_wait3A_246 = arith.constant 0 : i32
        %dma_wait3A_247 = arith.constant 0 : i32
        %dma_wait3A_248 = arith.constant 0 : i32
        %dma_wait3A_249 = tpu.memref_slice %arg6[%dma_wait3A_247, %dma_wait3A_248] : memref<104x64xf32, #tpu.memory_space<vmem>> -> memref<104x64xf32, #tpu.memory_space<vmem>>
        %dma_wait3A_250 = arith.constant 0 : i32
        %dma_wait3A_251 = arith.constant 0 : i32
        %dma_wait3A_252 = tpu.memref_slice %arg4[%dma_wait3A_246, %dma_wait3A_250, %dma_wait3A_251] : memref<4096x200x128xf32, #tpu.memory_space<hbm>> -> memref<1x104x64xf32, #tpu.memory_space<hbm>>
        %dma_wait3A_253 = tpu.memref_squeeze %dma_wait3A_252 : memref<1x104x64xf32, #tpu.memory_space<hbm>> -> memref<104x64xf32, #tpu.memory_space<hbm>>
        %dma_wait3A_254 = arith.constant 0 : i32
        %dma_wait3A_255 = arith.constant 0 : i32
        %dma_wait3A_256 = tpu.memref_slice %arg4[%dma_wait3A_246, %dma_wait3A_254, %dma_wait3A_255] : memref<4096x200x128xf32, #tpu.memory_space<hbm>> -> memref<1x104x64xf32, #tpu.memory_space<hbm>>
        %dma_wait3A_257 = tpu.memref_squeeze %dma_wait3A_256 : memref<1x104x64xf32, #tpu.memory_space<hbm>> -> memref<104x64xf32, #tpu.memory_space<hbm>>
        %dma_wait3A_258 = arith.constant 0 : i32
        %dma_wait3A_259 = arith.constant 0 : i32
        %dma_wait3A_260 = tpu.memref_slice %arg6[%dma_wait3A_258, %dma_wait3A_259] : memref<104x64xf32, #tpu.memory_space<vmem>> -> memref<104x64xf32, #tpu.memory_space<vmem>>
        tpu.wait_dma2 semaphore(%arg14 : memref<!tpu.dma_semaphore, #tpu.memory_space<semaphore_mem>>) src(%dma_wait3A_260 : memref<104x64xf32, #tpu.memory_space<vmem>>) dst(%dma_wait3A_257 : memref<104x64xf32, #tpu.memory_space<hbm>>)
      } else {
      }
      %add3A_215 = arith.constant 1 : i32
      %add3A_216 = arith.addi %add3A_202, %add3A_215 : i32
      %lt3A_217 = arith.constant 256 : i32
      %lt3A_218 = arith.cmpi slt, %add3A_216, %lt3A_217 : i32
      %convert_element_type3A_219 = arith.extui %lt3A_218 : i1 to i32
      %cond3A_220 = arith.constant 0 : i32
      %cond3A_221 = arith.cmpi ne, %convert_element_type3A_219, %cond3A_220 : i32
      scf.if %cond3A_221 {
        %dma_start3A_246 = arith.constant 0 : i32
        %dma_start3A_247 = arith.constant 0 : i32
        %dma_start3A_248 = tpu.memref_slice %arg6[%dma_start3A_246, %dma_start3A_247] : memref<104x64xf32, #tpu.memory_space<vmem>> -> memref<104x64xf32, #tpu.memory_space<vmem>>
        %dma_start3A_249 = arith.constant 0 : i32
        %dma_start3A_250 = tpu.memref_slice %arg5[%add3A_209, %dma_start3A_249] : memref<128x200xi32, #tpu.memory_space<vmem>> -> memref<1x104xi32, #tpu.memory_space<vmem>>
        %dma_start3A_251 = tpu.memref_squeeze %dma_start3A_250 : memref<1x104xi32, #tpu.memory_space<vmem>> -> memref<104xi32, #tpu.memory_space<vmem>>
        %dma_start3A_252 = arith.constant 0 : i32
        %dma_start3A_253 = arith.constant 0 : i32
        %dma_start3A_254 = tpu.memref_slice %arg3[%dma_start3A_252, %dma_start3A_253] : memref<2000000x64xf32, #tpu.memory_space<hbm>> -> memref<2000000x64xf32, #tpu.memory_space<hbm>>
        tpu.enqueue_indirect_dma source(%dma_start3A_254 : memref<2000000x64xf32, #tpu.memory_space<hbm>>) target(%dma_start3A_248 : memref<104x64xf32, #tpu.memory_space<vmem>>) offsets(%dma_start3A_251 : memref<104xi32, #tpu.memory_space<vmem>>) semaphore(%arg10 : memref<!tpu.dma_semaphore, #tpu.memory_space<semaphore_mem>>)
      } else {
      }
      %dma_wait3A_222 = arith.constant 0 : i32
      %dma_wait3A_223 = arith.constant 0 : i32
      %dma_wait3A_224 = arith.constant 0 : i32
      %dma_wait3A_225 = tpu.memref_slice %arg9[%dma_wait3A_223, %dma_wait3A_224] : memref<104x64xf32, #tpu.memory_space<vmem>> -> memref<96x64xf32, #tpu.memory_space<vmem>>
      %dma_wait3A_226 = arith.constant 104 : i32
      %dma_wait3A_227 = tpu.memref_slice %arg5[%dma_wait3A_222, %dma_wait3A_226] : memref<128x200xi32, #tpu.memory_space<vmem>> -> memref<1x96xi32, #tpu.memory_space<vmem>>
      %dma_wait3A_228 = tpu.memref_squeeze %dma_wait3A_227 : memref<1x96xi32, #tpu.memory_space<vmem>> -> memref<96xi32, #tpu.memory_space<vmem>>
      %dma_wait3A_229 = arith.constant 0 : i32
      %dma_wait3A_230 = arith.constant 0 : i32
      %dma_wait3A_231 = tpu.memref_slice %arg3[%dma_wait3A_229, %dma_wait3A_230] : memref<2000000x64xf32, #tpu.memory_space<hbm>> -> memref<2000000x64xf32, #tpu.memory_space<hbm>>
      tpu.wait_indirect_dma semaphore(%arg13 : memref<!tpu.dma_semaphore, #tpu.memory_space<semaphore_mem>>) src(%dma_wait3A_231 : memref<2000000x64xf32, #tpu.memory_space<hbm>>) dst(%dma_wait3A_225 : memref<96x64xf32, #tpu.memory_space<vmem>>)
      %dma_start3A_232 = arith.constant 0 : i32
      %dma_start3A_233 = arith.constant 0 : i32
      %dma_start3A_234 = tpu.memref_slice %arg9[%dma_start3A_232, %dma_start3A_233] : memref<104x64xf32, #tpu.memory_space<vmem>> -> memref<96x64xf32, #tpu.memory_space<vmem>>
      %dma_start3A_235 = arith.constant 104 : i32
      %dma_start3A_236 = arith.constant 0 : i32
      %dma_start3A_237 = tpu.memref_slice %arg4[%add3A_207, %dma_start3A_235, %dma_start3A_236] : memref<4096x200x128xf32, #tpu.memory_space<hbm>> -> memref<1x96x64xf32, #tpu.memory_space<hbm>>
      %dma_start3A_238 = tpu.memref_squeeze %dma_start3A_237 : memref<1x96x64xf32, #tpu.memory_space<hbm>> -> memref<96x64xf32, #tpu.memory_space<hbm>>
      %dma_start3A_239 = arith.constant 104 : i32
      %dma_start3A_240 = arith.constant 0 : i32
      %dma_start3A_241 = tpu.memref_slice %arg4[%add3A_207, %dma_start3A_239, %dma_start3A_240] : memref<4096x200x128xf32, #tpu.memory_space<hbm>> -> memref<1x96x64xf32, #tpu.memory_space<hbm>>
      %dma_start3A_242 = tpu.memref_squeeze %dma_start3A_241 : memref<1x96x64xf32, #tpu.memory_space<hbm>> -> memref<96x64xf32, #tpu.memory_space<hbm>>
      %dma_start3A_243 = arith.constant 0 : i32
      %dma_start3A_244 = arith.constant 0 : i32
      %dma_start3A_245 = tpu.memref_slice %arg9[%dma_start3A_243, %dma_start3A_244] : memref<104x64xf32, #tpu.memory_space<vmem>> -> memref<96x64xf32, #tpu.memory_space<vmem>>
      tpu.enqueue_dma source(%dma_start3A_245 : memref<96x64xf32, #tpu.memory_space<vmem>>) target(%dma_start3A_242 : memref<96x64xf32, #tpu.memory_space<hbm>>) target_semaphore(%arg17 : memref<!tpu.dma_semaphore, #tpu.memory_space<semaphore_mem>>)
    }
    %scan3A_16 = arith.constant 64 : i32
    %dma_wait3A = arith.constant 0 : i32
    %dma_wait3A_17 = arith.constant 0 : i32
    %dma_wait3A_18 = arith.constant 0 : i32
    %dma_wait3A_19 = tpu.memref_slice %arg7[%dma_wait3A_17, %dma_wait3A_18] : memref<104x64xf32, #tpu.memory_space<vmem>> -> memref<96x64xf32, #tpu.memory_space<vmem>>
    %dma_wait3A_20 = arith.constant 104 : i32
    %dma_wait3A_21 = arith.constant 0 : i32
    %dma_wait3A_22 = tpu.memref_slice %arg4[%dma_wait3A, %dma_wait3A_20, %dma_wait3A_21] : memref<4096x200x128xf32, #tpu.memory_space<hbm>> -> memref<1x96x64xf32, #tpu.memory_space<hbm>>
    %dma_wait3A_23 = tpu.memref_squeeze %dma_wait3A_22 : memref<1x96x64xf32, #tpu.memory_space<hbm>> -> memref<96x64xf32, #tpu.memory_space<hbm>>
    %dma_wait3A_24 = arith.constant 104 : i32
    %dma_wait3A_25 = arith.constant 0 : i32
    %dma_wait3A_26 = tpu.memref_slice %arg4[%dma_wait3A, %dma_wait3A_24, %dma_wait3A_25] : memref<4096x200x128xf32, #tpu.memory_space<hbm>> -> memref<1x96x64xf32, #tpu.memory_space<hbm>>
    %dma_wait3A_27 = tpu.memref_squeeze %dma_wait3A_26 : memref<1x96x64xf32, #tpu.memory_space<hbm>> -> memref<96x64xf32, #tpu.memory_space<hbm>>
    %dma_wait3A_28 = arith.constant 0 : i32
    %dma_wait3A_29 = arith.constant 0 : i32
    %dma_wait3A_30 = tpu.memref_slice %arg7[%dma_wait3A_28, %dma_wait3A_29] : memref<104x64xf32, #tpu.memory_space<vmem>> -> memref<96x64xf32, #tpu.memory_space<vmem>>
    tpu.wait_dma2 semaphore(%arg15 : memref<!tpu.dma_semaphore, #tpu.memory_space<semaphore_mem>>) src(%dma_wait3A_30 : memref<96x64xf32, #tpu.memory_space<vmem>>) dst(%dma_wait3A_27 : memref<96x64xf32, #tpu.memory_space<hbm>>)
    %dma_wait3A_31 = arith.constant 0 : i32
    %dma_wait3A_32 = arith.constant 0 : i32
    %dma_wait3A_33 = arith.constant 0 : i32
    %dma_wait3A_34 = tpu.memref_slice %arg8[%dma_wait3A_32, %dma_wait3A_33] : memref<104x64xf32, #tpu.memory_space<vmem>> -> memref<104x64xf32, #tpu.memory_space<vmem>>
    %dma_wait3A_35 = arith.constant 0 : i32
    %dma_wait3A_36 = arith.constant 0 : i32
    %dma_wait3A_37 = tpu.memref_slice %arg4[%dma_wait3A_31, %dma_wait3A_35, %dma_wait3A_36] : memref<4096x200x128xf32, #tpu.memory_space<hbm>> -> memref<1x104x64xf32, #tpu.memory_space<hbm>>
    %dma_wait3A_38 = tpu.memref_squeeze %dma_wait3A_37 : memref<1x104x64xf32, #tpu.memory_space<hbm>> -> memref<104x64xf32, #tpu.memory_space<hbm>>
    %dma_wait3A_39 = arith.constant 0 : i32
    %dma_wait3A_40 = arith.constant 0 : i32
    %dma_wait3A_41 = tpu.memref_slice %arg4[%dma_wait3A_31, %dma_wait3A_39, %dma_wait3A_40] : memref<4096x200x128xf32, #tpu.memory_space<hbm>> -> memref<1x104x64xf32, #tpu.memory_space<hbm>>
    %dma_wait3A_42 = tpu.memref_squeeze %dma_wait3A_41 : memref<1x104x64xf32, #tpu.memory_space<hbm>> -> memref<104x64xf32, #tpu.memory_space<hbm>>
    %dma_wait3A_43 = arith.constant 0 : i32
    %dma_wait3A_44 = arith.constant 0 : i32
    %dma_wait3A_45 = tpu.memref_slice %arg8[%dma_wait3A_43, %dma_wait3A_44] : memref<104x64xf32, #tpu.memory_space<vmem>> -> memref<104x64xf32, #tpu.memory_space<vmem>>
    tpu.wait_dma2 semaphore(%arg16 : memref<!tpu.dma_semaphore, #tpu.memory_space<semaphore_mem>>) src(%dma_wait3A_45 : memref<104x64xf32, #tpu.memory_space<vmem>>) dst(%dma_wait3A_42 : memref<104x64xf32, #tpu.memory_space<hbm>>)
    %dma_wait3A_46 = arith.constant 0 : i32
    %dma_wait3A_47 = arith.constant 0 : i32
    %dma_wait3A_48 = arith.constant 0 : i32
    %dma_wait3A_49 = tpu.memref_slice %arg9[%dma_wait3A_47, %dma_wait3A_48] : memref<104x64xf32, #tpu.memory_space<vmem>> -> memref<96x64xf32, #tpu.memory_space<vmem>>
    %dma_wait3A_50 = arith.constant 104 : i32
    %dma_wait3A_51 = arith.constant 0 : i32
    %dma_wait3A_52 = tpu.memref_slice %arg4[%dma_wait3A_46, %dma_wait3A_50, %dma_wait3A_51] : memref<4096x200x128xf32, #tpu.memory_space<hbm>> -> memref<1x96x64xf32, #tpu.memory_space<hbm>>
    %dma_wait3A_53 = tpu.memref_squeeze %dma_wait3A_52 : memref<1x96x64xf32, #tpu.memory_space<hbm>> -> memref<96x64xf32, #tpu.memory_space<hbm>>
    %dma_wait3A_54 = arith.constant 104 : i32
    %dma_wait3A_55 = arith.constant 0 : i32
    %dma_wait3A_56 = tpu.memref_slice %arg4[%dma_wait3A_46, %dma_wait3A_54, %dma_wait3A_55] : memref<4096x200x128xf32, #tpu.memory_space<hbm>> -> memref<1x96x64xf32, #tpu.memory_space<hbm>>
    %dma_wait3A_57 = tpu.memref_squeeze %dma_wait3A_56 : memref<1x96x64xf32, #tpu.memory_space<hbm>> -> memref<96x64xf32, #tpu.memory_space<hbm>>
    %dma_wait3A_58 = arith.constant 0 : i32
    %dma_wait3A_59 = arith.constant 0 : i32
    %dma_wait3A_60 = tpu.memref_slice %arg9[%dma_wait3A_58, %dma_wait3A_59] : memref<104x64xf32, #tpu.memory_space<vmem>> -> memref<96x64xf32, #tpu.memory_space<vmem>>
    tpu.wait_dma2 semaphore(%arg17 : memref<!tpu.dma_semaphore, #tpu.memory_space<semaphore_mem>>) src(%dma_wait3A_60 : memref<96x64xf32, #tpu.memory_space<vmem>>) dst(%dma_wait3A_57 : memref<96x64xf32, #tpu.memory_space<hbm>>)
    return
  }
}

</mosaic_0001>

<sc_bundles>
// kernel: kernel.3.cloned.1.call-start
scs
__scs_entry_jumppad:
0x0: {  	(pc) =	sbr.rel $0x88, $3  }
0x1: {  	(tag) =	ssettag $0x0;
	lr =	simm.s32 $0x1  }
0x2: {  	[smem:$0x3F9F] =	sst lr;
	_ =	strace $0xD0000000  }
0x3: {  	_ = 	snop  }
0x4: {  	_ = 	snop  }
0x5: {  	_ = 	snop  }
0x6: {  	_ = 	snop  }
0x7: {  	_ = 	snop  }
__scs_overlays_trampoline_lowered:
0x8: {  	[smem:$0x3FAE] =	sst s0  }
0x9: {  	[smem:$0x3FAF] =	sst s1  }
0xa: {  	[smem:$0x3FB0] =	sst s2  }
0xb: {  	[smem:$0x3FB1] =	sst s3  }
0xc: {  	[smem:$0x3FB2] =	sst s4  }
0xd: {  	[smem:$0x3FB3] =	sst s5  }
0xe: {  	[smem:$0x3FB4] =	sst s6  }
0xf: {  	[smem:$0x3FB5] =	sst s7  }
0x10: {  	[smem:$0x3FB6] =	sst s8  }
0x11: {  	[smem:$0x3FB7] =	sst s9;
	s0 =	simm.s32 @!p0 $0x0  }
0x12: {  	s1 =	sld [smem:$0x3F9D];
	s0 =	simm.s32 @p0 $0x1  }
0x13: {  	[smem:$0x3FB8] =	sst s0;
	s0 =	simm.s32 @!p1 $0x0  }
0x14: {  	s2 =	sld [smem:$0x3F9C];
	s0 =	simm.s32 @p1 $0x1  }
0x15: {  	[smem:$0x3FB9] =	sst s0;
	s0 =	simm.s32 @!p2 $0x0  }
0x16: {  	s3 =	sld [smem:$0x3FDB];
	s0 =	simm.s32 @p2 $0x1  }
0x17: {  	s4 =	simm.s32 $0x1BF5;
	[smem:$0x3FBB] =	sst s0  }
0x18: {  	s0 =	sld [smem:$0x3F9E];
	_ =	swait.ge [sflag:s4], $0x0  }
0x19: {  	s7 =	sld [smem:$0x3F9F]  }
0x1a: {  	s8 =	sadd.s32 $0xFFFFE003, lr  }
0x1b: {  	s9 =	sadd.s32 $0xFFFFFEF7, lr;
	s5 =	simm.s32 $0xFFFFFFFF;
	p2 =	slt.u32 s8, $0xFFFFF086  }
0x1c: {  	p1 =	slt.u32 s9, $0xF7A;
	s5 =	simm.s32 @!p2 $0x0  }
0x1d: {  	s5 =	simm.s32 @p1 $0x1;
	p0 =	seq.s32 s7, s2  }
0x1e: {  	s7 =	smul.u32 @!p0 $0xF7A, s2;
	p2 =	seq.s32 @!p0 s5, $0x0  }
0x1f: {  	s9 =	smul.u32 $0xF7A, s1;
	s8 =	simm.s32 @!p0 $0x1BF5;
	p2 =	por !p2, p0  }
0x20: {  	[sflag:s8] =	ssyncset.s32 @!p0 $0xFFFFF086;
	s6 =	sadd.s32 @!p0 s3, s7;
	s7 =	simm.s32 @!p0 $0x108  }
0x21: {  	s3 =	sadd.s32 s3, s9;
	s6 =	sadd.s32 @!p0 $0x88, s6;
	s7 =	simm.s32 @p2 $0x1082  }
0x22: {  	[simem:s7], [sflag:s8] =	dma.local @!p0 [hbm:s6], $0xF7A  }
0x23: {  	s9 =	sor.u32 $0xD0000000, s2;
	s6 =	simm.s32 $0x108;
	_ =	swait.ge @!p0 [sflag:s8], $0x0  }
0x24: {  	s3 =	sadd.s32 $0x88, s3;
	s6 =	simm.s32 @!p1 $0x1082;
	[sflag:s4] =	ssyncset.s32 $0xFFFFF086  }
0x25: {  	[simem:s6], [sflag:s4] =	dma.local [hbm:s3], $0xF7A  }
0x26: {  	[smem:$0x3F9F] =	sst s1;
	(tag) =	ssettag s2;
	_ =	strace s9  }
0x27: {  	s1 =	sld [smem:$0x3FAF]  }
0x28: {  	s2 =	sld [smem:$0x3FB0]  }
0x29: {  	s4 =	sld [smem:$0x3FB2]  }
0x2a: {  	p0 =	seq.s32 s5, $0x0;
	s5 =	sld [smem:$0x3FB3]  }
0x2b: {  	s6 =	sld [smem:$0x3FB4]  }
0x2c: {  	s7 =	sld [smem:$0x3FB5]  }
0x2d: {  	s3 =	simm.s32 $0x108;
	s8 =	sld [smem:$0x3FB6]  }
0x2e: {  	s3 =	simm.s32 @!p0 $0x1082;
	s9 =	sld [smem:$0x3FB7]  }
0x2f: {  	lr =	sadd.s32 s0, s3;
	s0 =	sld [smem:$0x3FAE]  }
0x30: {  	s3 =	sld [smem:$0x3FB1]  }
0x31: {  	[smem:$0x3FBA] =	sst s10  }
0x32: {  	s10 =	sld [smem:$0x3FB8];
	_ =	sdelay $0x3  }
0x33: {  	p0 =	seq.s32 s10, $0x1;
	s10 =	sld [smem:$0x3FBA];
	_ =	sdelay $0x3  }
0x34: {  	[smem:$0x3FBA] =	sst s10  }
0x35: {  	s10 =	sld [smem:$0x3FB9];
	_ =	sdelay $0x3  }
0x36: {  	p1 =	seq.s32 s10, $0x1;
	s10 =	sld [smem:$0x3FBA];
	_ =	sdelay $0x3  }
0x37: {  	[smem:$0x3FBA] =	sst s10  }
0x38: {  	s10 =	sld [smem:$0x3FBB]  }
0x39: {  	_ = 	snop;
	(pc) =	sbr.ind lr, $3  }
0x3a: {  	_ = 	snop  }
0x3b: {  	_ = 	snop  }
0x3c: {  	p2 =	seq.s32 s10, $0x1;
	s10 =	sld [smem:$0x3FBA]  }
0x3d: {  	_ =	shalt  }
0x3e: {  	_ =	shalt  }
0x3f: {  	_ =	shalt  }
0x40: {  	_ =	shalt  }
0x41: {  	_ =	shalt  }
0x42: {  	_ =	shalt  }
0x43: {  	_ =	shalt  }
0x44: {  	_ =	shalt  }
0x45: {  	_ =	shalt  }
0x46: {  	_ =	shalt  }
0x47: {  	_ =	shalt  }
0x48: {  	_ =	shalt  }
0x49: {  	_ =	shalt  }
0x4a: {  	_ =	shalt  }
0x4b: {  	_ =	shalt  }
0x4c: {  	_ =	shalt  }
0x4d: {  	_ =	shalt  }
0x4e: {  	_ =	shalt  }
0x4f: {  	_ =	shalt  }
0x50: {  	_ =	shalt  }
0x51: {  	_ =	shalt  }
0x52: {  	_ =	shalt  }
0x53: {  	_ =	shalt  }
0x54: {  	_ =	shalt  }
0x55: {  	_ =	shalt  }
0x56: {  	_ =	shalt  }
0x57: {  	_ =	shalt  }
0x58: {  	_ =	shalt  }
0x59: {  	_ =	shalt  }
0x5a: {  	_ =	shalt  }
0x5b: {  	_ =	shalt  }
0x5c: {  	_ =	shalt  }
0x5d: {  	_ =	shalt  }
0x5e: {  	_ =	shalt  }
0x5f: {  	_ =	shalt  }
0x60: {  	_ =	shalt  }
0x61: {  	_ =	shalt  }
0x62: {  	_ =	shalt  }
0x63: {  	_ =	shalt  }
0x64: {  	_ =	shalt  }
0x65: {  	_ =	shalt  }
0x66: {  	_ =	shalt  }
0x67: {  	_ =	shalt  }
0x68: {  	_ =	shalt  }
0x69: {  	_ =	shalt  }
0x6a: {  	_ =	shalt  }
0x6b: {  	_ =	shalt  }
0x6c: {  	_ =	shalt  }
0x6d: {  	_ =	shalt  }
0x6e: {  	_ =	shalt  }
0x6f: {  	_ =	shalt  }
0x70: {  	_ =	shalt  }
0x71: {  	_ =	shalt  }
0x72: {  	_ =	shalt  }
0x73: {  	_ =	shalt  }
0x74: {  	_ =	shalt  }
0x75: {  	_ =	shalt  }
0x76: {  	_ =	shalt  }
0x77: {  	_ =	shalt  }
0x78: {  	_ =	shalt  }
0x79: {  	_ =	shalt  }
0x7a: {  	_ =	shalt  }
0x7b: {  	_ =	shalt  }
0x7c: {  	_ =	shalt  }
0x7d: {  	_ =	shalt  }
0x7e: {  	_ =	shalt  }
0x7f: {  	_ =	shalt  }
0x80: {  	_ =	shalt  }
0x81: {  	_ =	shalt  }
0x82: {  	_ =	shalt  }
0x83: {  	_ =	shalt  }
0x84: {  	_ =	shalt  }
0x85: {  	_ =	shalt  }
0x86: {  	_ =	shalt  }
0x87: {  	_ =	shalt  }
.Lfunc_end0:
.L_simem_size_0:
called_computation.2_lowered:
.L_overlay_start_0:
0x88: {  	s2 =	sld [smem:$0x3FD9]  }
0x89: {  	s3 =	sld [smem:$0x3FFE];
	_ =	sdelay $0x1  }
0x8a: {  	s1 =	srdreg.scid  }
0x8b: {  	s0 =	sand.u32 $0x1, s1  }
0x8c: {  	s17 =	sshll.u32 s0, $0xA;
	s2 =	sadd.s32 s3, s2  }
0x8d: {  	s2 =	sadd.s32 s2, s17  }
0x8e: {  	[smem:$0x3FC6] =	sst s2  }
0x8f: {  	_ = 	snop  }
0x90: {  	s2 =	sld [smem:$0x3FD0];
	(tm) =	ssettm $0x1  }
0x91: {  	s18 =	sld [smem:$0x3FFB];
	_ =	sdelay $0x3  }
0x92: {  	_ =	strace s18  }
0x93: {  	s3 =	sld [smem:$0x3FFC];
	_ =	sdelay $0x3  }
0x94: {  	_ =	strace s3  }
0x95: {  	s3 =	sld [smem:$0x3FFD];
	_ =	sdelay $0x3  }
0x96: {  	_ =	strace s3  }
0x97: {  	_ =	strace $0x8FFFFFFF  }
0x98: {  	s19 =	sld [smem:$0x3FDB];
	_ =	sdelay $0x1  }
0x99: {  	s4 =	simm.s32 $_scs_section_size  }
0x9a: {  	s5 =	simm.s32 $_size__tile_overlayer_lowered;
	s6 =	simm.s32 $_tile_overlayer_lowered  }
0x9b: {  	s22 =	simm.s32 $0x1BFF;
	s21 =	sshll.u32 s6, $0x1;
	s3 =	sadd.s32 s4, s19  }
0x9c: {  	s7 =	simm.s32 $0x0;
	s20 =	sshll.u32 s5, $0x1;
	s5 =	sadd.s32 s21, s3  }
0x9d: {  	[timem:s7], [sflag:s22] =	dma.local [hbm:s5], s20  }
0x9e: {  	_ =	swait.ge [sflag:s22], s20  }
0x9f: {  	s4 =	ssub.s32 $0x0, s20;
	[sflag:s22] =	ssyncset.done $0x0  }
0xa0: {  	[sflag:s22] =	ssyncadd.s32 s4;
	_ =	sdelay $0x1  }
0xa1: {  	s23 =	simm.s32 $0x1B8B  }
0xa2: {  	_ =	swait.ge [sflag:s23], $0x1  }
0xa3: {  	[sflag:s23] =	ssyncset.done $0x0  }
0xa4: {  	s25 =	simm.s32 $0x1B8E;
	s24 =	sld [smem:$0x3FFE];
	[sflag:s23] =	ssyncadd.s32 $0xFFFFFFFF  }
0xa5: {  	s26 =	simm.s32 $execute0_lowered;
	[smem:$0x3FD2] =	sst s25  }
0xa6: {  	s5 =	sshll.u32 s26, $0x1;
	_ =	strace $0x80000049;
	[dreg:$0x1] =	wrdreg $0xFFFFFFFF  }
0xa7: {  	s28 =	simm.s32 $_size_execute0_lowered;
	s3 =	sadd.s32 s3, s5;
	[dreg:$0x0] =	wrdreg $0x0  }
0xa8: {  	s5 =	sshll.u32 s28, $0x1;
	[dreg:$0x2] =	wrdreg s3  }
0xa9: {  	[dreg:$0x3] =	wrdreg s5  }
0xaa: {  	[dreg:$0x4] =	wrdreg $0xC0  }
0xab: {  	_ =	task [dreg:s7], $0x5FFFF  }
0xac: {  	[dreg:$0x1] =	wrdreg $0xFFFFFFFF  }
0xad: {  	[dreg:$0x0] =	wrdreg $0x60  }
0xae: {  	[dreg:$0x2] =	wrdreg s2  }
0xaf: {  	[dreg:$0x3] =	wrdreg s24  }
0xb0: {  	[dreg:$0x4] =	wrdreg $0x9  }
0xb1: {  	_ =	task.clear_ibuf [dreg:s7], $0x5FFFF;
	_ =	strace $0x90000049  }
0xb2: {  	s29 =	simm.s32 $0x9;
	_ =	strace $0x8000004B  }
0xb3: {  	_ =	swait.ge [sflag:s29], $0x1  }
0xb4: {  	[sflag:s29] =	ssyncadd.s32 $0xFFFFFFFF  }
0xb5: {  	_ =	strace $0x9000004B  }
0xb6: {  	_ =	sfence  }
0xb7: {  	s30 =	sld [smem:$0x0];
	_ =	sdelay $0x2  }
0xb8: {  	s31 =	sshll.u32 s1, $0xD;
	s1 =	sshrl.u32 s1, $0x2  }
0xb9: {  	s3 =	sand.u32 $0x4000, s31;
	s1 =	sadd.s32 s1, s30  }
0xba: {  	s0 =	sor.u32 s3, s0;
	s1 =	sshll.u32 s1, $0x11  }
0xbb: {  	s0 =	sor.u32 s1, s0  }
0xbc: {  	s0 =	sadd.s32 $0x8F2B, s0  }
0xbd: {  	[sflag:s0] =	ssyncadd.remote.s32 $0x1  }
0xbe: {  	_ =	sfence.sel $0xFFFF  }
0xbf: {  	[dreg:$0x0] =	wrdreg $0xFFFFFFFF;
	(pc) =	sbr.abs _section_cstart, $3  }
0xc0: {  	[dreg:$0x1] =	wrdreg $0xFFFFFFFF  }
0xc1: {  	_ =	task.clear_ibuf [dreg:s7], $0x2FFFF;
	_ =	strace $0x9FFFFFFF  }
0xc2: {  	(tm) =	ssettm $0x7FFFFFFF  }
0xc3: {  	_ =	shalt  }
tec
execute0_lowered:
.L_overlay_start_1:
0x0: {  	(tag) =	ssettag $0x1  }
0x1: {  	s0 =	rddreg [dreg:$0x0]  }
0x2: {  	s1 =	rddreg [dreg:$0x1];
	s2 =	srdreg.scid  }
0x3: {  	s8 =	stileid.u32;
	s5 =	simm.s32 $0x0;
	s28 =	simm.s32 $0x2  }
0x4: {  	s30 =	simm.s32 $0xB200;
	s31 =	simm.s32 $0x3;
	s29 =	simm.s32 $0x6  }
0x5: {  	s2 =	sand.u32 $0x1, s2;
	s3 =	sshll.u32 s8, $0x8;
	s19 =	smul.u32 $0x640000, s8  }
0x6: {  	[smem:$0x7FF] =	sst s5;
	s25 =	smul.u32 $0xC8000, s8;
	s4 =	sshll.u32 s2, $0x7  }
0x7: {  	_ =	strace $0x8000004A;
	s6 =	ssub.s32 $0x2, s2;
	s22 =	smul.u32 $0x320000, s2  }
0x8: {  	s2 =	smul.u32 $0x64000, s2;
	s4 =	sor.u32 s4, s3;
	s7 =	sshrl.u32 s6, $0x1  }
0x9: {  	s3 =	sadd.s32 $0x16E4600, s1;
	s16 =	smul.u32 $0x6400, s4;
	s6 =	ssub.s32 s6, s7  }
0xa: {  	s1 =	sadd.s32 $0xE00, s1;
	s4 =	smul.u32 $0x19, s4;
	s17 =	smax.u32 s6, $0x1  }
0xb: {  	s6 =	sadd.s32 s25, s1;
	s25 =	simm.s32 $0x4;
	s5 =	sshrl.u32 s16, $0x3  }
0xc: {  	s0 =	sadd.s32 s0, s4;
	[dreg:$0x4] =	wrdreg s17;
	s2 =	sadd.s32 s2, s6  }
0xd: {  	s17 =	simm.s32 $0x9;
	[dreg:$0x3] =	wrdreg s0;
	s5 =	sadd.s32 s1, s5  }
0xe: {  	s0 =	sadd.s32 s22, s19;
	s15 =	sadd.s32 $0x1900, s2;
	s18 =	sadd.s32 $0x680, s5  }
0xf: {  	s19 =	simm.s32 $0x6400;
	s20 =	sadd.s32 $0xC80, s5;
	[dreg:$0x5] =	wrdreg s18  }
0x10: {  	s22 =	simm.s32 $0x1;
	s21 =	sadd.s32 $0x1300, s5;
	[dreg:$0x6] =	wrdreg s20  }
0x11: {  	s2 =	simm.s32 $0x8;
	s23 =	sadd.s32 $0x62700, s5;
	[dreg:$0x7] =	wrdreg s21  }
0x12: {  	s24 =	sadd.s32 $0x62D80, s5;
	s26 =	sadd.s32 $0x63380, s5;
	[dreg:$0x8] =	wrdreg s23  }
0x13: {  	s13 =	sadd.s32 $0x63A00, s5;
	s4 =	sor.u32 $0xFC00, s0;
	[dreg:$0x9] =	wrdreg s24  }
0x14: {  	s0 =	sor.u32 $0x16000, s0;
	[dreg:$0xa] =	wrdreg s26;
	s4 =	sshrl.u32 s4, $0x3  }
0x15: {  	s0 =	sshrl.u32 s0, $0x3;
	s18 =	simm.s32 $0x68;
	s20 =	simm.s32 $0x60  }
0x16: {  	s21 =	simm.s32 $0x7E00;
	s23 =	simm.s32 $0x40;
	s24 =	simm.s32 $0x80  }
0x17: {  	s26 =	simm.s32 $0x9800;
	s14 =	sadd.s32 s4, s1;
	s10 =	sadd.s32 s0, s1  }
0x18: {  	s0 =	simm.s32 $0x5;
	s1 =	simm.s32 $0x7;
	s4 =	simm.s32 $0x0  }
.LBB2_1:
0x19: {  	s6 =	simm.s32 $0x0;
	s7 =	rddreg [dreg:$0x3]  }
0x1a: {  	[tilespmem:s6], [sflag:$0x9] =	stream.linear.gather [hbm4b:s7+s6], $0x6400, $0x38;
	[tilespmem:$0xCC00] =	vst v63  }
0x1b: {  	_ =	swait.ge [sflag:s17], $0x6400  }
0x1c: {  	[sflag:s17] =	ssyncset.done $0x0  }
0x1d: {  	[sflag:s17] =	ssyncadd.s32 $0xFFFF9C00  }
0x1e: {  	[tilespmem:s19], [sflag:$0x1] =	stream.indirect.gather [hbm4b:s3+s18], $0x40, s6, s18, $0xb8;
	[tilespmem:$0xCC00] =	vst v63  }
0x1f: {  	_ = 	snop  }
0x20: {  	[tilespmem:s21], [sflag:$0x2] =	stream.indirect.gather [hbm4b:s3+s20], $0x40, s18, s20, $0xb8;
	[tilespmem:$0xCC00] =	vst v63  }
0x21: {  	_ =	swait.ge [sflag:s22], $0x1A00  }
0x22: {  	[sflag:s22] =	ssyncset.done $0x0  }
0x23: {  	[sflag:s22] =	ssyncadd.s32 $0xFFFFE600  }
0x24: {  	[hbm4b:s5+s23] =	stream.strided.scatter [tilespmem:s19], [sflag:$0x5], $0x1A00, s24, s23, $0x38;
	[tilespmem:$0xCC00] =	vst v63  }
0x25: {  	s8 =	simm.s32 $0xC8  }
0x26: {  	[tilespmem:s26], [sflag:$0x3] =	stream.indirect.gather [hbm4b:s3+s18], $0x40, s8, s18, $0xb8;
	[tilespmem:$0xCC00] =	vst v63  }
0x27: {  	_ =	swait.ge [sflag:s28], $0x1800  }
0x28: {  	[sflag:s28] =	ssyncset.done $0x0  }
0x29: {  	s9 =	rddreg [dreg:$0x5];
	[sflag:s28] =	ssyncadd.s32 $0xFFFFE800  }
0x2a: {  	[hbm4b:s9+s23] =	stream.strided.scatter [tilespmem:s21], [sflag:$0x6], $0x1800, s24, s23, $0x38;
	[tilespmem:$0xCC00] =	vst v63  }
0x2b: {  	s11 =	simm.s32 $0x130  }
0x2c: {  	[tilespmem:s30], [sflag:$0x4] =	stream.indirect.gather [hbm4b:s3+s20], $0x40, s11, s20, $0xb8;
	[tilespmem:$0xCC00] =	vst v63  }
0x2d: {  	_ =	swait.ge [sflag:s31], $0x1A00  }
0x2e: {  	[sflag:s31] =	ssyncset.done $0x0  }
0x2f: {  	s12 =	rddreg [dreg:$0x6];
	[sflag:s31] =	ssyncadd.s32 $0xFFFFE600  }
0x30: {  	[hbm4b:s12+s23] =	stream.strided.scatter [tilespmem:s26], [sflag:$0x7], $0x1A00, s24, s23, $0x38;
	[tilespmem:$0xCC00] =	vst v63  }
0x31: {  	_ =	swait.ge [sflag:s0], $0x1A00  }
0x32: {  	[sflag:s0] =	ssyncset.done $0x0  }
0x33: {  	s16 =	simm.s32 $0x190;
	[sflag:s0] =	ssyncadd.s32 $0xFFFFE600  }
0x34: {  	[tilespmem:s19], [sflag:$0x1] =	stream.indirect.gather [hbm4b:s3+s18], $0x40, s16, s18, $0xb8;
	[tilespmem:$0xCC00] =	vst v63  }
0x35: {  	_ =	swait.ge [sflag:s25], $0x1800  }
0x36: {  	[sflag:s25] =	ssyncset.done $0x0  }
0x37: {  	s7 =	rddreg [dreg:$0x7];
	[sflag:s25] =	ssyncadd.s32 $0xFFFFE800  }
0x38: {  	[hbm4b:s7+s23] =	stream.strided.scatter [tilespmem:s30], [sflag:$0x8], $0x1800, s24, s23, $0x38;
	[tilespmem:$0xCC00] =	vst v63  }
0x39: {  	_ =	swait.ge [sflag:s29], $0x1800  }
0x3a: {  	[sflag:s29] =	ssyncset.done $0x0  }
0x3b: {  	s8 =	simm.s32 $0x1F8;
	[sflag:s29] =	ssyncadd.s32 $0xFFFFE800  }
0x3c: {  	[tilespmem:s21], [sflag:$0x2] =	stream.indirect.gather [hbm4b:s3+s20], $0x40, s8, s20, $0xb8;
	[tilespmem:$0xCC00] =	vst v63  }
0x3d: {  	_ =	swait.ge [sflag:s22], $0x1A00  }
0x3e: {  	[sflag:s22] =	ssyncset.done $0x0  }
0x3f: {  	[sflag:s22] =	ssyncadd.s32 $0xFFFFE600  }
0x40: {  	[hbm4b:s15+s23] =	stream.strided.scatter [tilespmem:s19], [sflag:$0x5], $0x1A00, s24, s23, $0x38;
	[tilespmem:$0xCC00] =	vst v63  }
0x41: {  	_ =	swait.ge [sflag:s1], $0x1A00  }
0x42: {  	[sflag:s1] =	ssyncset.done $0x0  }
0x43: {  	s9 =	simm.s32 $0x258;
	[sflag:s1] =	ssyncadd.s32 $0xFFFFE600  }
0x44: {  	[tilespmem:s26], [sflag:$0x3] =	stream.indirect.gather [hbm4b:s3+s18], $0x40, s9, s18, $0xb8;
	[tilespmem:$0xCC00] =	vst v63  }
0x45: {  	_ =	swait.ge [sflag:s28], $0x1800  }
0x46: {  	[sflag:s28] =	ssyncset.done $0x0  }
0x47: {  	[sflag:s28] =	ssyncadd.s32 $0xFFFFE800  }
0x48: {  	[hbm4b:s14+s23] =	stream.strided.scatter [tilespmem:s21], [sflag:$0x6], $0x1800, s24, s23, $0x38;
	[tilespmem:$0xCC00] =	vst v63  }
0x49: {  	_ =	swait.ge [sflag:s2], $0x1800  }
0x4a: {  	[sflag:s2] =	ssyncset.done $0x0  }
0x4b: {  	s11 =	simm.s32 $0x2C0;
	[sflag:s2] =	ssyncadd.s32 $0xFFFFE800  }
0x4c: {  	[tilespmem:s30], [sflag:$0x4] =	stream.indirect.gather [hbm4b:s3+s20], $0x40, s11, s20, $0xb8;
	[tilespmem:$0xCC00] =	vst v63  }
0x4d: {  	_ =	swait.ge [sflag:s31], $0x1A00  }
0x4e: {  	[sflag:s31] =	ssyncset.done $0x0  }
0x4f: {  	s12 =	sadd.s32 $0xC80, s15;
	[sflag:s31] =	ssyncadd.s32 $0xFFFFE600  }
0x50: {  	[hbm4b:s12+s23] =	stream.strided.scatter [tilespmem:s26], [sflag:$0x7], $0x1A00, s24, s23, $0x38;
	[tilespmem:$0xCC00] =	vst v63  }
0x51: {  	_ =	swait.ge [sflag:s0], $0x1A00  }
0x52: {  	[sflag:s0] =	ssyncset.done $0x0  }
0x53: {  	s16 =	simm.s32 $0x320;
	[sflag:s0] =	ssyncadd.s32 $0xFFFFE600  }
0x54: {  	[tilespmem:s19], [sflag:$0x1] =	stream.indirect.gather [hbm4b:s3+s18], $0x40, s16, s18, $0xb8;
	[tilespmem:$0xCC00] =	vst v63  }
0x55: {  	s6 =	simm.s32 $0x640;
	_ =	swait.ge [sflag:s25], $0x1800  }
0x56: {  	s7 =	sadd.s32 $0x1900, s10;
	s8 =	sadd.s32 $0x1900, s14;
	[sflag:s25] =	ssyncset.done $0x0  }
0x57: {  	s9 =	sadd.s32 $0x1900, s15;
	s16 =	smov.u32 s10;
	[sflag:s25] =	ssyncadd.s32 $0xFFFFE800  }
.LBB2_2:
0x58: {  	[hbm4b:s16+s23] =	stream.strided.scatter [tilespmem:s30], [sflag:$0x8], $0x1800, s24, s23, $0x38;
	[tilespmem:$0xCC00] =	vst v63  }
0x59: {  	s16 =	smov.u32 s6;
	s6 =	sadd.s32 $0x640, s6;
	_ =	swait.ge [sflag:s29], $0x1800  }
0x5a: {  	s11 =	sshra.s32 s16, $0x2;
	p0 =	sne.s32 s6, $0x18380;
	[sflag:s29] =	ssyncset.done $0x0  }
0x5b: {  	s16 =	smov.u32 s7;
	s12 =	sadd.s32 $0x1F8, s11;
	[sflag:s29] =	ssyncadd.s32 $0xFFFFE800  }
0x5c: {  	[tilespmem:s21], [sflag:$0x2] =	stream.indirect.gather [hbm4b:s3+s20], $0x40, s12, s20, $0xb8;
	[tilespmem:$0xCC00] =	vst v63  }
0x5d: {  	_ =	swait.ge [sflag:s22], $0x1A00  }
0x5e: {  	[sflag:s22] =	ssyncset.done $0x0  }
0x5f: {  	[sflag:s22] =	ssyncadd.s32 $0xFFFFE600  }
0x60: {  	[hbm4b:s9+s23] =	stream.strided.scatter [tilespmem:s19], [sflag:$0x5], $0x1A00, s24, s23, $0x38;
	[tilespmem:$0xCC00] =	vst v63  }
0x61: {  	_ =	swait.ge [sflag:s1], $0x1A00  }
0x62: {  	[sflag:s1] =	ssyncset.done $0x0  }
0x63: {  	s12 =	sadd.s32 $0x258, s11;
	[sflag:s1] =	ssyncadd.s32 $0xFFFFE600  }
0x64: {  	[tilespmem:s26], [sflag:$0x3] =	stream.indirect.gather [hbm4b:s3+s18], $0x40, s12, s18, $0xb8;
	[tilespmem:$0xCC00] =	vst v63  }
0x65: {  	_ =	swait.ge [sflag:s28], $0x1800  }
0x66: {  	[sflag:s28] =	ssyncset.done $0x0  }
0x67: {  	[sflag:s28] =	ssyncadd.s32 $0xFFFFE800  }
0x68: {  	[hbm4b:s8+s23] =	stream.strided.scatter [tilespmem:s21], [sflag:$0x6], $0x1800, s24, s23, $0x38;
	[tilespmem:$0xCC00] =	vst v63  }
0x69: {  	_ =	swait.ge [sflag:s2], $0x1800  }
0x6a: {  	[sflag:s2] =	ssyncset.done $0x0  }
0x6b: {  	s12 =	sadd.s32 $0x2C0, s11;
	[sflag:s2] =	ssyncadd.s32 $0xFFFFE800  }
0x6c: {  	[tilespmem:s30], [sflag:$0x4] =	stream.indirect.gather [hbm4b:s3+s20], $0x40, s12, s20, $0xb8;
	[tilespmem:$0xCC00] =	vst v63  }
0x6d: {  	_ =	swait.ge [sflag:s31], $0x1A00  }
0x6e: {  	[sflag:s31] =	ssyncset.done $0x0  }
0x6f: {  	s12 =	sadd.s32 $0xC80, s9;
	[sflag:s31] =	ssyncadd.s32 $0xFFFFE600  }
0x70: {  	[hbm4b:s12+s23] =	stream.strided.scatter [tilespmem:s26], [sflag:$0x7], $0x1A00, s24, s23, $0x38;
	[tilespmem:$0xCC00] =	vst v63  }
0x71: {  	_ =	swait.ge [sflag:s0], $0x1A00  }
0x72: {  	[sflag:s0] =	ssyncset.done $0x0  }
.Ltmp0:
0x73: {  	s11 =	sadd.s32 $0x320, s11;
	[sflag:s0] =	ssyncadd.s32 $0xFFFFE600;
	(pc) =	sbr.rel @p0 .LBB2_2-.Ltmp0, $4  }
0x74: {  	[tilespmem:s19], [sflag:$0x1] =	stream.indirect.gather [hbm4b:s3+s18], $0x40, s11, s18, $0xb8;
	[tilespmem:$0xCC00] =	vst v63  }
0x75: {  	_ =	swait.ge [sflag:s25], $0x1800  }
0x76: {  	s7 =	sadd.s32 $0x1900, s7;
	[sflag:s25] =	ssyncset.done $0x0  }
0x77: {  	s8 =	sadd.s32 $0x1900, s8;
	s9 =	sadd.s32 $0x1900, s9;
	[sflag:s25] =	ssyncadd.s32 $0xFFFFE800  }
0x78: {  	[hbm4b:s16+s23] =	stream.strided.scatter [tilespmem:s30], [sflag:$0x8], $0x1800, s24, s23, $0x38;
	[tilespmem:$0xCC00] =	vst v63  }
0x79: {  	_ =	swait.ge [sflag:s29], $0x1800  }
0x7a: {  	s6 =	sshra.s32 s6, $0x2;
	[sflag:s29] =	ssyncset.done $0x0  }
0x7b: {  	s6 =	sadd.s32 $0x1F8, s6;
	[sflag:s29] =	ssyncadd.s32 $0xFFFFE800  }
0x7c: {  	[tilespmem:s21], [sflag:$0x2] =	stream.indirect.gather [hbm4b:s3+s20], $0x40, s6, s20, $0xb8;
	[tilespmem:$0xCC00] =	vst v63  }
0x7d: {  	_ =	swait.ge [sflag:s22], $0x1A00  }
0x7e: {  	[sflag:s22] =	ssyncset.done $0x0  }
0x7f: {  	s7 =	rddreg [dreg:$0x8];
	[sflag:s22] =	ssyncadd.s32 $0xFFFFE600  }
0x80: {  	[hbm4b:s7+s23] =	stream.strided.scatter [tilespmem:s19], [sflag:$0x5], $0x1A00, s24, s23, $0x38;
	[tilespmem:$0xCC00] =	vst v63  }
0x81: {  	_ =	swait.ge [sflag:s1], $0x1A00  }
0x82: {  	[sflag:s1] =	ssyncset.done $0x0  }
0x83: {  	s8 =	simm.s32 $0x6338;
	[sflag:s1] =	ssyncadd.s32 $0xFFFFE600  }
0x84: {  	[tilespmem:s26], [sflag:$0x3] =	stream.indirect.gather [hbm4b:s3+s18], $0x40, s8, s18, $0xb8;
	[tilespmem:$0xCC00] =	vst v63  }
0x85: {  	_ =	swait.ge [sflag:s28], $0x1800  }
0x86: {  	[sflag:s28] =	ssyncset.done $0x0  }
0x87: {  	s9 =	rddreg [dreg:$0x9];
	[sflag:s28] =	ssyncadd.s32 $0xFFFFE800  }
0x88: {  	[hbm4b:s9+s23] =	stream.strided.scatter [tilespmem:s21], [sflag:$0x6], $0x1800, s24, s23, $0x38;
	[tilespmem:$0xCC00] =	vst v63  }
0x89: {  	_ =	swait.ge [sflag:s2], $0x1800  }
0x8a: {  	[sflag:s2] =	ssyncset.done $0x0  }
0x8b: {  	s11 =	simm.s32 $0x63A0;
	[sflag:s2] =	ssyncadd.s32 $0xFFFFE800  }
0x8c: {  	[tilespmem:s30], [sflag:$0x4] =	stream.indirect.gather [hbm4b:s3+s20], $0x40, s11, s20, $0xb8;
	[tilespmem:$0xCC00] =	vst v63  }
0x8d: {  	_ =	swait.ge [sflag:s31], $0x1A00  }
0x8e: {  	[sflag:s31] =	ssyncset.done $0x0  }
0x8f: {  	s12 =	rddreg [dreg:$0xa];
	[sflag:s31] =	ssyncadd.s32 $0xFFFFE600  }
0x90: {  	[hbm4b:s12+s23] =	stream.strided.scatter [tilespmem:s26], [sflag:$0x7], $0x1A00, s24, s23, $0x38;
	[tilespmem:$0xCC00] =	vst v63  }
0x91: {  	_ =	swait.ge [sflag:s0], $0x1A00  }
0x92: {  	[sflag:s0] =	ssyncset.done $0x0  }
0x93: {  	[sflag:s0] =	ssyncadd.s32 $0xFFFFE600  }
0x94: {  	_ =	swait.ge [sflag:s25], $0x1800  }
0x95: {  	[sflag:s25] =	ssyncset.done $0x0  }
0x96: {  	[sflag:s25] =	ssyncadd.s32 $0xFFFFE800  }
0x97: {  	[hbm4b:s13+s23] =	stream.strided.scatter [tilespmem:s30], [sflag:$0x8], $0x1800, s24, s23, $0x38;
	[tilespmem:$0xCC00] =	vst v63  }
0x98: {  	_ =	swait.ge [sflag:s29], $0x1800  }
0x99: {  	[sflag:s29] =	ssyncset.done $0x0  }
0x9a: {  	[sflag:s29] =	ssyncadd.s32 $0xFFFFE800  }
0x9b: {  	_ =	swait.ge [sflag:s1], $0x1A00  }
0x9c: {  	[sflag:s1] =	ssyncset.done $0x0  }
0x9d: {  	[sflag:s1] =	ssyncadd.s32 $0xFFFFE600  }
0x9e: {  	_ =	swait.ge [sflag:s2], $0x1800  }
0x9f: {  	s4 =	sadd.s32 $0x1, s4;
	s16 =	rddreg [dreg:$0x4]  }
0xa0: {  	p0 =	sne.s32 s4, s16  }
.Ltmp1:
0xa1: {  	_ = 	snop;
	(pc) =	sbr.rel @p0 .LBB2_1-.Ltmp1, $3  }
0xa2: {  	_ =	sdelay $0x1  }
0xa3: {  	[sflag:s2] =	ssyncset.done $0x0  }
0xa4: {  	[sflag:s2] =	ssyncadd.s32 $0xFFFFE800  }
0xa5: {  	_ =	sfence.sel $0x180000  }
0xa6: {  	[bflag:$0x0] =	sbarrier.arrive $0xFFFF  }
0xa7: {  	_ =	strace $0x9000004A  }
0xa8: {  	s0 =	stileid.u32;
	[bflag:$0x2] =	sbarrier.arrive $0xFFFF  }
0xa9: {  	p0 =	sne.s32 s0, $0x0;
	s0 =	rddreg [dreg:$0x2]  }
0xaa: {  	s0 =	sadd.s32 @!p0 $0x100000, s0  }
0xab: {  	[sflag:s0] =	ssyncadd.tile.s32 @!p0 $0x1;
	_ =	shalt  }
.Lfunc_end2:
_tile_overlayer_lowered:
.L_overlay_start_2:
0xac: {  	(tag) =	ssettag $0x2  }
0xad: {  	s0 =	rddreg [dreg:$0x0];
	s2 =	stileid.u32  }
0xae: {  	s1 =	rddreg [dreg:$0x1];
	p0 =	sne.s32 s2, $0x0  }
0xaf: {  	s3 =	rddreg [dreg:$0x2];
	[bflag:$0x3] =	sbarrier.arrive $0xFFFF;
	s2 =	simm.s32 @!p0 $0x1C09  }
0xb0: {  	[timem:s3], [sflag:s2] =	dma.local @!p0 [hbm:s0], s1  }
0xb1: {  	s0 =	simm.s32 @!p0 $0x9  }
0xb2: {  	_ =	swait.ge @!p0 [sflag:s0], s1  }
0xb3: {  	s1 =	ssub.s32 @!p0 $0x0, s1;
	[sflag:s0] =	ssyncset.done @!p0 $0x0  }
0xb4: {  	[sflag:s0] =	ssyncadd.s32 @!p0 s1  }
0xb5: {  	[bflag:$0x3] =	sbarrier.arrive $0xFFFF  }
0xb6: {  	_ =	shalt  }

// kernel: sparse-core-data-format-call.1.cloned.1.call-start
scs
called_computation.1_lowered:
.L_overlay_start_0:
0x0: {  	s1 =	sld [smem:$0x3FD9]  }
0x1: {  	s2 =	sld [smem:$0x3FFE];
	_ =	sdelay $0x1  }
0x2: {  	s3 =	srdreg.scid  }
0x3: {  	s0 =	sand.u32 $0x1, s3  }
0x4: {  	s17 =	sshll.u32 s0, $0xA;
	s1 =	sadd.s32 s2, s1  }
0x5: {  	s1 =	sadd.s32 s1, s17  }
0x6: {  	[smem:$0x3FC6] =	sst s1  }
0x7: {  	_ = 	snop  }
0x8: {  	(tm) =	ssettm $0x1  }
0x9: {  	s18 =	sld [smem:$0x3FFB];
	_ =	sdelay $0x3  }
0xa: {  	_ =	strace s18  }
0xb: {  	s1 =	sld [smem:$0x3FFC];
	_ =	sdelay $0x3  }
0xc: {  	_ =	strace s1  }
0xd: {  	s1 =	sld [smem:$0x3FFD];
	_ =	sdelay $0x3  }
0xe: {  	_ =	strace s1  }
0xf: {  	_ =	strace $0x8FFFFFFF  }
0x10: {  	s19 =	sld [smem:$0x3FDB];
	_ =	sdelay $0x1  }
0x11: {  	s20 =	simm.s32 $_scs_section_size  }
0x12: {  	s4 =	simm.s32 $_size__tile_overlayer_lowered;
	s5 =	simm.s32 $_tile_overlayer_lowered  }
0x13: {  	s23 =	simm.s32 $0x1BFF;
	s22 =	sshll.u32 s5, $0x1;
	s1 =	sadd.s32 s20, s19  }
0x14: {  	s6 =	simm.s32 $0x0;
	s21 =	sshll.u32 s4, $0x1;
	s4 =	sadd.s32 s22, s1  }
0x15: {  	[timem:s6], [sflag:s23] =	dma.local [hbm:s4], s21  }
0x16: {  	_ =	swait.ge [sflag:s23], s21  }
0x17: {  	s2 =	ssub.s32 $0x0, s21;
	[sflag:s23] =	ssyncset.done $0x0  }
0x18: {  	[sflag:s23] =	ssyncadd.s32 s2;
	_ =	sdelay $0x1  }
0x19: {  	s24 =	simm.s32 $0x1B8B  }
0x1a: {  	_ =	swait.ge [sflag:s24], $0x1  }
0x1b: {  	[sflag:s24] =	ssyncset.done $0x0  }
0x1c: {  	s26 =	simm.s32 $0x1B8E;
	s25 =	sld [smem:$0x3FFE];
	[sflag:s24] =	ssyncadd.s32 $0xFFFFFFFF  }
0x1d: {  	s27 =	simm.s32 $execute0_lowered;
	[smem:$0x3FD2] =	sst s26  }
0x1e: {  	s4 =	sshll.u32 s27, $0x1;
	_ =	strace $0x80000046;
	[dreg:$0x1] =	wrdreg $0xFFFFFFFF  }
0x1f: {  	s28 =	simm.s32 $_size_execute0_lowered;
	s1 =	sadd.s32 s1, s4;
	[dreg:$0x0] =	wrdreg $0x0  }
0x20: {  	s4 =	sshll.u32 s28, $0x1;
	[dreg:$0x2] =	wrdreg s1  }
0x21: {  	[dreg:$0x3] =	wrdreg s4  }
0x22: {  	[dreg:$0x4] =	wrdreg $0xC0  }
0x23: {  	_ =	task [dreg:s6], $0x5FFFF  }
0x24: {  	[dreg:$0x1] =	wrdreg $0xFFFFFFFF  }
0x25: {  	[dreg:$0x0] =	wrdreg $0x60  }
0x26: {  	[dreg:$0x2] =	wrdreg s25  }
0x27: {  	[dreg:$0x3] =	wrdreg $0x9  }
0x28: {  	_ =	task.clear_ibuf [dreg:s6], $0x4FFFF;
	_ =	strace $0x90000046  }
0x29: {  	s29 =	simm.s32 $0x9;
	_ =	strace $0x80000048  }
0x2a: {  	_ =	swait.ge [sflag:s29], $0x1  }
0x2b: {  	[sflag:s29] =	ssyncadd.s32 $0xFFFFFFFF  }
0x2c: {  	_ =	strace $0x90000048  }
0x2d: {  	_ =	sfence  }
0x2e: {  	s30 =	sld [smem:$0x0];
	_ =	sdelay $0x2  }
0x2f: {  	s31 =	sshll.u32 s3, $0xD;
	s3 =	sshrl.u32 s3, $0x2  }
0x30: {  	s2 =	sand.u32 $0x4000, s31;
	s1 =	sadd.s32 s3, s30  }
0x31: {  	s0 =	sor.u32 s2, s0;
	s1 =	sshll.u32 s1, $0x11  }
0x32: {  	s0 =	sor.u32 s1, s0  }
0x33: {  	s0 =	sadd.s32 $0x8F2B, s0  }
0x34: {  	[sflag:s0] =	ssyncadd.remote.s32 $0x1  }
0x35: {  	_ =	sfence.sel $0xFFFF  }
0x36: {  	[dreg:$0x0] =	wrdreg $0xFFFFFFFF;
	(pc) =	sbr.abs _section_cstart, $3  }
0x37: {  	[dreg:$0x1] =	wrdreg $0xFFFFFFFF  }
0x38: {  	_ =	task.clear_ibuf [dreg:s6], $0x2FFFF;
	_ =	strace $0x9FFFFFFF  }
0x39: {  	(tm) =	ssettm $0x7FFFFFFF  }
tec
execute0_lowered:
.L_overlay_start_1:
0x0: {  	(tag) =	ssettag $0x1  }
0x1: {  	s0 =	srdreg.scid  }
0x2: {  	s5 =	rddreg [dreg:$0x0];
	s1 =	stileid.u32;
	s4 =	simm.s32 $0x1  }
0x3: {  	s6 =	simm.s32 $0x2;
	s15 =	simm.s32 $0x0;
	p0 =	por $0x0, $0x0  }
0x4: {  	s8 =	simm.s32 $0x80;
	s14 =	simm.s32 $0x0;
	s2 =	sshll.u32 s0, $0x4  }
0x5: {  	s9 =	simm.s32 $0x0;
	s10 =	simm.s32 $0x0;
	s2 =	sand.u32 $0x10, s2  }
.Ltmp0:
0x6: {  	s12 =	simm.s32 $0x0;
	s3 =	sor.u32 s1, s2;
	(pc) =	sbr.rel .LBB1_1-.Ltmp0, $4  }
0x7: {  	s0 =	rddreg [dreg:$0x1];
	_ =	strace $0x80000047;
	s3 =	sshll.u32 s3, $0x7  }
0x8: {  	s13 =	simm.s32 $0x0;
	[sflag:s4] =	ssyncpa.u1 $0x0;
	s7 =	ssub.s32 $0xF4200, s3  }
0x9: {  	s2 =	sadd.s32 $0xE00, s5;
	[sflag:s6] =	ssyncpa.u1 $0x0;
	s6 =	sshrl.u32 s7, $0xC  }
0xa: {  	s5 =	sadd.s32 $0x7A2200, s5;
	s11 =	smov.u32 s3;
	s7 =	sadd.s32 $0x2, s6  }
.LBB1_5:
0xb: {  	p1 =	slt.u32 s13, $0x2  }
0xc: {  	s17 =	smov.u32 s15;
	p2 =	sgt.s32 @!p1 s15, $0xF41C0;
	s16 =	sshra.s32 @!p1 s15, $0x1F  }
0xd: {  	p3 =	sgt.s32 @!p1 s14, $0x40;
	s18 =	sshra.s32 @!p1 s14, $0x1F;
	p2 =	por !p2, p1  }
0xe: {  	s15 =	sand.u32 @!p1 s16, s15;
	p3 =	por !p3, p1;
	s16 =	smov.u32 s14  }
0xf: {  	s14 =	sand.u32 @!p1 s18, s14;
	s17 =	simm.s32 @p2 $0xF41C0;
	s16 =	simm.s32 @p3 $0x40  }
0x10: {  	s15 =	ssub.s32 @!p1 s17, s15;
	s14 =	ssub.s32 @!p1 s16, s14  }
0x11: {  	s18 =	smov.u32 s12;
	s16 =	sadd.s32 @!p1 $0xFFF0BE40, s15;
	s17 =	sadd.s32 @!p1 $0xFFFFFFC0, s14  }
0x12: {  	s15 =	ssub.s32 @!p1 $0xF4240, s15;
	p2 =	sgt.s32 @!p1 s16, $0x7F;
	p3 =	sgt.s32 @!p1 s17, $0x3F  }
0x13: {  	s14 =	ssub.s32 @!p1 $0x80, s14;
	p2 =	por !p2, p1;
	p3 =	por !p3, p1  }
0x14: {  	s16 =	sadd.s32 $0x1000, s11;
	s15 =	simm.s32 @!p2 $0x0;
	s14 =	simm.s32 @!p3 $0x0  }
0x15: {  	p2 =	sgt.s32 s16, $0xF423F;
	s14 =	smul.u32 @!p1 s14, s15;
	s15 =	sadd.s32 $0x40, s12  }
0x16: {  	s18 =	smov.u32 @p2 s15  }
0x17: {  	s16 =	smov.u32 @p2 s3;
	p2 =	sgt.s32 s18, $0x3F  }
0x18: {  	s18 =	simm.s32 @p2 $0x0;
	p2 =	sne.s32 s13, s7  }
.Ltmp1:
0x19: {  	p0 =	por !p0, !p0;
	s17 =	simm.s32 @!p1 $0x2;
	(pc) =	sbr.rel @!p2 .LBB1_6-.Ltmp1, $4  }
0x1a: {  	s15 =	smov.u32 s9;
	s9 =	smov.u32 s11;
	s14 =	sand.u32 @!p1 $0x3FFFFFFF, s14  }
0x1b: {  	s11 =	smov.u32 s16;
	_ =	swait.ge @!p1 [sflag:s17], s14;
	s19 =	ssub.s32 @!p1 $0x0, s14  }
0x1c: {  	s14 =	smov.u32 s10;
	s13 =	sadd.s32 $0x1, s13;
	[sflag:s17] =	ssyncset.done @!p1 $0x0  }
0x1d: {  	s10 =	smov.u32 s12;
	s12 =	smov.u32 s18;
	[sflag:s17] =	ssyncadd.s32 @!p1 s19  }
.LBB1_1:
0x1e: {  	p1 =	sgt.u32 s13, s6  }
0x1f: {  	s16 =	sshrl.u32 @!p1 s12, $0x3  }
0x20: {  	s17 =	sshll.u32 @!p1 s11, $0x3;
	s16 =	smul.u32 @!p1 $0x7A1400, s16  }
0x21: {  	s18 =	sshll.u32 @!p1 s12, $0x7;
	s17 =	sand.u32 @!p1 $0xFFFFFC00, s17  }
0x22: {  	s16 =	sadd.s32 @!p1 s16, s17;
	s17 =	sand.u32 @!p1 $0x380, s18  }
0x23: {  	s18 =	sand.u32 @!p1 $0x7F, s11;
	s16 =	sor.u32 @!p1 s17, s16  }
0x24: {  	s17 =	sor.u32 @!p1 s18, s16  }
0x25: {  	s18 =	smulhi.u32 @!p1 $0x218D6287, s17;
	_ =	sdelay $0x1  }
0x26: {  	s16 =	smulhi.u32 @!p1 $0x218D6287, s16;
	s18 =	sshrl.u32 @!p1 s18, $0x11  }
0x27: {  	s18 =	smul.u32 @!p1 $0xF4280, s18  }
0x28: {  	s19 =	sxor.u32 @!p1 $0xFFFFFFFF, s13;
	s16 =	sshrl.u32 @!p1 s16, $0x11  }
0x29: {  	s19 =	sshll.u32 @!p1 s19, $0xD;
	s16 =	sand.u32 @!p1 $0x3F, s16;
	s17 =	ssub.s32 @!p1 s17, s18  }
0x2a: {  	s16 =	smul.u32 @!p1 $0x1E850, s16;
	s18 =	sshrl.u32 @!p1 s17, $0x3;
	s17 =	sand.u32 @!p1 $0x7, s17  }
0x2b: {  	s19 =	sand.u32 @!p1 $0x2000, s19;
	s18 =	sadd.s32 @!p1 s2, s18;
	s17 =	sshll.u32 @!p1 s17, $0x12  }
0x2c: {  	s16 =	sadd.s32 @!p1 s16, s18;
	s17 =	sor.u32 @!p1 $0x400, s17;
	s18 =	simm.s32 @!p1 $0x7A1400  }
0x2d: {  	[tilespmem:s19], [sflag:$0x1] =	stream.strided.gather @!p1 [hbm4b:s16+s17], $0x2000, s18, s17, $0x38;
	[tilespmem:$0x8100] =	vst v63  }
0x2e: {  	p1 =	seq.s32 s13, $0x0  }
0x2f: {  	p2 =	sge.u32 @!p1 s13, s7  }
0x30: {  	p1 =	por p1, p2  }
.Ltmp2:
0x31: {  	_ = 	snop;
	(pc) =	sbr.rel @p1 .LBB1_5-.Ltmp2, $1  }
0x32: {  	_ =	sdelay $0x3  }
0x33: {  	s16 =	simm.s32 $0x1  }
0x34: {  	_ =	swait.ge [sflag:s4], $0x2000;
	s16 =	simm.s32 @!p0 $0x0  }
0x35: {  	[sflag:s4] =	ssyncset.done $0x0;
	s17 =	sshll.u32 s16, $0xD  }
0x36: {  	[sflag:s4] =	ssyncadd.s32 $0xFFFFE000;
	s17 =	sor.u32 $0x40, s17  }
0x37: {  	s16 =	smul.u32 $0x8200, s16;
	v0 =	vld [tilespmem:s17+$0x30]  }
0x38: {  	v1 =	vld [tilespmem:s17+$0xFFFFFFD0]  }
0x39: {  	s16 =	sshrl.u32 s16, $0x2;
	v5 =	vld [tilespmem:s17+$0xFFFFFFE0]  }
0x3a: {  	v6 =	vld [tilespmem:s17+$0xFFFFFFF0];
	s19 =	sor.u32 $0x4000, s16  }
0x3b: {  	s31 =	sand.u32 $0x1, s13;
	v4 =	vld [tilespmem:s17+$0x0];
	s18 =	sadd.s32 $0x0, s19  }
0x3c: {  	v3 =	vld [tilespmem:s17+$0x10];
	s16 =	smul.u32 $0x8200, s31;
	[tilespmem:s18+$0x1C70 ss:$0x41] =	vst.msk $0xffff, v0  }
0x3d: {  	v2 =	vld [tilespmem:s17+$0x20];
	[tilespmem:s18+$0x410 ss:$0x41] =	vst.msk $0xffff, v1  }
0x3e: {  	s16 =	sshrl.u32 s16, $0x2;
	v1 =	vld [tilespmem:s17+$0xFFFFFFC0];
	[tilespmem:s18+$0x820 ss:$0x41] =	vst.msk $0xffff, v5;
	s17 =	sadd.s32 $0x80, s17  }
0x3f: {  	s20 =	simm.s32 $0x4;
	s21 =	simm.s32 $0x8;
	s16 =	sor.u32 $0x4000, s16;
	[tilespmem:s18+$0xC30 ss:$0x41] =	vst.msk $0xffff, v6;
	v0 =	vld [tilespmem:s17+$0x30]  }
.LBB1_3:
0x40: {  	p1 =	sne.s32 s21, $0xFC;
	v5 =	vld [tilespmem:s17+$0xFFFFFFD0];
	[tilespmem:s18+$0x1040 ss:$0x41] =	vst.msk $0xffff, v4  }
0x41: {  	v6 =	vld [tilespmem:s17+$0xFFFFFFE0];
	[tilespmem:s18+$0x1450 ss:$0x41] =	vst.msk $0xffff, v3  }
0x42: {  	s22 =	sshra.s32 s20, $0x2;
	s20 =	smov.u32 s21;
	v7 =	vld [tilespmem:s17+$0xFFFFFFF0];
	[tilespmem:s18+$0x1860 ss:$0x41] =	vst.msk $0xffff, v2  }
.Ltmp3:
0x43: {  	v4 =	vld [tilespmem:s17+$0x0];
	[tilespmem:s18+$0x0 ss:$0x41] =	vst.msk $0xffff, v1;
	s18 =	sadd.s32 s22, s19;
	(pc) =	sbr.rel @p1 .LBB1_3-.Ltmp3, $4  }
0x44: {  	v3 =	vld [tilespmem:s17+$0x10];
	[tilespmem:s18+$0x1C70 ss:$0x41] =	vst.msk $0xffff, v0  }
0x45: {  	[tilespmem:s18+$0x410 ss:$0x41] =	vst.msk $0xffff, v5;
	v2 =	vld [tilespmem:s17+$0x20]  }
0x46: {  	v1 =	vld [tilespmem:s17+$0xFFFFFFC0];
	[tilespmem:s18+$0x820 ss:$0x41] =	vst.msk $0xffff, v6;
	s17 =	sadd.s32 $0x80, s17  }
0x47: {  	s21 =	sadd.s32 $0x4, s21;
	v0 =	vld [tilespmem:s17+$0x30];
	[tilespmem:s18+$0xC30 ss:$0x41] =	vst.msk $0xffff, v7  }
0x48: {  	s21 =	sshll.u32 s9, $0x7;
	s22 =	sshll.u32 s10, $0x3;
	s20 =	sshra.s32 s20, $0x2  }
0x49: {  	p1 =	sgt.s32 s9, $0xF41C0;
	s30 =	sshra.s32 s9, $0x1F;
	s25 =	sshra.s32 s10, $0x1F  }
0x4a: {  	v5 =	vld [tilespmem:s17+$0xFFFFFFD0];
	s28 =	sshrl.u32 s10, $0x3;
	s23 =	sand.u32 $0xFFFFFC00, s21;
	s22 =	sand.u32 $0xFFFFFC00, s22  }
0x4b: {  	[tilespmem:s18+$0x1040 ss:$0x41] =	vst.msk $0xffff, v4;
	v58 =	vld [tilespmem:s17+$0xFFFFFFE0];
	s21 =	sand.u32 $0x380, s21;
	s19 =	sadd.s32 s20, s19;
	s22 =	sadd.s32 s22, s23  }
0x4c: {  	v59 =	vld [tilespmem:s17+$0xFFFFFFF0];
	[tilespmem:s18+$0x1450 ss:$0x41] =	vst.msk $0xffff, v3;
	s29 =	sor.u32 s21, s22;
	s21 =	smov.u32 s9;
	s22 =	sand.u32 s30, s9  }
0x4d: {  	v60 =	vld [tilespmem:s17+$0x0];
	[tilespmem:s18+$0x1860 ss:$0x41] =	vst.msk $0xffff, v2;
	s30 =	sand.u32 $0x7, s10;
	s20 =	sshrl.u32 s29, $0x7;
	s21 =	simm.s32 @!p1 $0xF41C0  }
0x4e: {  	v61 =	vld [tilespmem:s17+$0x10];
	[tilespmem:s18+$0x0 ss:$0x41] =	vst.msk $0xffff, v1;
	p1 =	sgt.s32 s10, $0x40;
	s24 =	ssub.s32 s21, s22;
	s21 =	smov.u32 s10  }
0x4f: {  	v62 =	vld [tilespmem:s17+$0x20];
	[tilespmem:s19+$0x1C70 ss:$0x41] =	vst.msk $0xffff, v0;
	s31 =	smulhi.u32 $0x218DEF5, s20;
	s22 =	sand.u32 s25, s10;
	s21 =	simm.s32 @!p1 $0x40  }
0x50: {  	v63 =	vld [tilespmem:s17+$0xFFFFFFC0];
	[tilespmem:s19+$0x410 ss:$0x41] =	vst.msk $0xffff, v5;
	s26 =	sadd.s32 $0xFFF0BE40, s24;
	s17 =	ssub.s32 $0xF4240, s24;
	s21 =	ssub.s32 s21, s22  }
0x51: {  	[tilespmem:s19+$0x820 ss:$0x41] =	vst.msk $0xffff, v58;
	s23 =	sshrl.u32 s31, $0xD;
	p1 =	sgt.s32 s26, $0x7F;
	s27 =	sadd.s32 $0xFFFFFFC0, s21  }
0x52: {  	[tilespmem:s19+$0xC30 ss:$0x41] =	vst.msk $0xffff, v59;
	s23 =	smul.u32 $0xF4240, s23;
	s18 =	ssub.s32 $0x80, s21;
	p2 =	sgt.s32 s27, $0x3F  }
.Ltmp4:
0x53: {  	[tilespmem:s19+$0x1040 ss:$0x41] =	vst.msk $0xffff, v60;
	s17 =	simm.s32 @p1 $0x0;
	s18 =	simm.s32 @p2 $0x0;
	(pc) =	sbr.rel .LBB1_5-.Ltmp4, $4  }
0x54: {  	s29 =	sand.u32 $0xF, s28;
	[tilespmem:s19+$0x1450 ss:$0x41] =	vst.msk $0xffff, v61;
	s20 =	ssub.s32 s20, s23;
	s17 =	smul.u32 s18, s17  }
0x55: {  	[tilespmem:s19+$0x1860 ss:$0x41] =	vst.msk $0xffff, v62;
	s21 =	sshll.u32 s30, $0x12;
	s20 =	sshll.u32 s20, $0x4;
	s18 =	sadd.s32 s5, s29  }
0x56: {  	[tilespmem:s19+$0x0 ss:$0x41] =	vst.msk $0xffff, v63;
	s31 =	sor.u32 $0x40, s21;
	s18 =	sadd.s32 s20, s18;
	s17 =	sand.u32 $0x3FFFFFFF, s17  }
0x57: {  	[hbm4b:s18+s31] =	stream.strided.scatter [tilespmem:s16], [sflag:$0x2], s17, s8, s31, $0x18;
	[tilespmem:$0x8100] =	vst v63  }
.LBB1_6:
0x58: {  	_ =	sfence.sel $0x180000  }
0x59: {  	s2 =	simm.s32 $0x1;
	[bflag:$0x0] =	sbarrier.arrive $0xFFFF  }
0x5a: {  	s31 =	simm.s32 $0x2;
	[sflag:s2] =	ssyncpa.u1 $0x1  }
0x5b: {  	[sflag:s31] =	ssyncpa.u1 $0x1  }
0x5c: {  	p0 =	sne.s32 s1, $0x0;
	_ =	strace $0x90000047  }
0x5d: {  	s0 =	sadd.s32 @!p0 $0x100000, s0;
	[bflag:$0x2] =	sbarrier.arrive $0xFFFF  }
0x5e: {  	[sflag:s0] =	ssyncadd.tile.s32 @!p0 $0x1;
	_ =	shalt  }
.Lfunc_end1:
_tile_overlayer_lowered:
.L_overlay_start_2:
0x5f: {  	(tag) =	ssettag $0x2  }
0x60: {  	s0 =	rddreg [dreg:$0x0];
	s2 =	stileid.u32  }
0x61: {  	s1 =	rddreg [dreg:$0x1];
	p0 =	sne.s32 s2, $0x0  }
0x62: {  	s3 =	rddreg [dreg:$0x2];
	[bflag:$0x3] =	sbarrier.arrive $0xFFFF;
	s2 =	simm.s32 @!p0 $0x1C01  }
0x63: {  	[timem:s3], [sflag:s2] =	dma.local @!p0 [hbm:s0], s1  }
0x64: {  	s0 =	simm.s32 @!p0 $0x1  }
0x65: {  	_ =	swait.ge @!p0 [sflag:s0], s1  }
0x66: {  	s1 =	ssub.s32 @!p0 $0x0, s1;
	[sflag:s0] =	ssyncset.done @!p0 $0x0  }
0x67: {  	[sflag:s0] =	ssyncadd.s32 @!p0 s1  }
0x68: {  	[bflag:$0x3] =	sbarrier.arrive $0xFFFF  }
0x69: {  	_ =	shalt  }

// kernel: sparse-core-data-format-call.cloned.1.call-start
scs
called_computation_lowered:
.L_overlay_start_0:
0x0: {  	s2 =	sld [smem:$0x3FD9]  }
0x1: {  	s3 =	sld [smem:$0x3FFE];
	_ =	sdelay $0x1  }
0x2: {  	s1 =	srdreg.scid  }
0x3: {  	s0 =	sand.u32 $0x1, s1  }
0x4: {  	s18 =	sshll.u32 s0, $0xA;
	s2 =	sadd.s32 s3, s2  }
0x5: {  	s2 =	sadd.s32 s2, s18  }
0x6: {  	[smem:$0x3FC6] =	sst s2  }
0x7: {  	_ = 	snop  }
0x8: {  	s2 =	sld [smem:$0x3FD0];
	(tm) =	ssettm $0x1  }
0x9: {  	s19 =	sld [smem:$0x3FFB];
	_ =	sdelay $0x3  }
0xa: {  	_ =	strace s19  }
0xb: {  	s3 =	sld [smem:$0x3FFC];
	_ =	sdelay $0x3  }
0xc: {  	_ =	strace s3  }
0xd: {  	s3 =	sld [smem:$0x3FFD];
	_ =	sdelay $0x3  }
0xe: {  	_ =	strace s3  }
0xf: {  	_ =	strace $0x8FFFFFFF  }
0x10: {  	s20 =	sld [smem:$0x3FDB];
	_ =	sdelay $0x1  }
0x11: {  	s4 =	simm.s32 $_scs_section_size  }
0x12: {  	s5 =	simm.s32 $_size__tile_overlayer_lowered;
	s6 =	simm.s32 $_tile_overlayer_lowered  }
0x13: {  	s23 =	simm.s32 $0x1BFF;
	s22 =	sshll.u32 s6, $0x1;
	s3 =	sadd.s32 s4, s20  }
0x14: {  	s7 =	simm.s32 $0x0;
	s21 =	sshll.u32 s5, $0x1;
	s5 =	sadd.s32 s22, s3  }
0x15: {  	[timem:s7], [sflag:s23] =	dma.local [hbm:s5], s21  }
0x16: {  	_ =	swait.ge [sflag:s23], s21  }
0x17: {  	s4 =	ssub.s32 $0x0, s21;
	[sflag:s23] =	ssyncset.done $0x0  }
0x18: {  	[sflag:s23] =	ssyncadd.s32 s4;
	_ =	sdelay $0x1  }
0x19: {  	s24 =	simm.s32 $0x1B8B  }
0x1a: {  	_ =	swait.ge [sflag:s24], $0x1  }
0x1b: {  	[sflag:s24] =	ssyncset.done $0x0  }
0x1c: {  	s26 =	simm.s32 $0x1B8E;
	s25 =	sld [smem:$0x3FFE];
	[sflag:s24] =	ssyncadd.s32 $0xFFFFFFFF  }
0x1d: {  	s27 =	simm.s32 $execute0_lowered;
	[smem:$0x3FD2] =	sst s26  }
0x1e: {  	s5 =	sshll.u32 s27, $0x1;
	_ =	strace $0x8000004C;
	[dreg:$0x1] =	wrdreg $0xFFFFFFFF  }
0x1f: {  	s28 =	simm.s32 $_size_execute0_lowered;
	s3 =	sadd.s32 s3, s5;
	[dreg:$0x0] =	wrdreg $0x0  }
0x20: {  	s5 =	sshll.u32 s28, $0x1;
	[dreg:$0x2] =	wrdreg s3  }
0x21: {  	[dreg:$0x3] =	wrdreg s5  }
0x22: {  	[dreg:$0x4] =	wrdreg $0xC0  }
0x23: {  	_ =	task [dreg:s7], $0x5FFFF  }
0x24: {  	[dreg:$0x1] =	wrdreg $0xFFFFFFFF  }
0x25: {  	[dreg:$0x0] =	wrdreg $0x60  }
0x26: {  	[dreg:$0x2] =	wrdreg s25  }
0x27: {  	[dreg:$0x3] =	wrdreg s2  }
0x28: {  	[dreg:$0x4] =	wrdreg $0x9  }
0x29: {  	_ =	task.clear_ibuf [dreg:s7], $0x5FFFF;
	_ =	strace $0x9000004C  }
0x2a: {  	s29 =	simm.s32 $0x9;
	_ =	strace $0x8000004E  }
0x2b: {  	_ =	swait.ge [sflag:s29], $0x1  }
0x2c: {  	[sflag:s29] =	ssyncadd.s32 $0xFFFFFFFF  }
0x2d: {  	_ =	strace $0x9000004E  }
0x2e: {  	_ =	sfence  }
0x2f: {  	s30 =	sld [smem:$0x0];
	_ =	sdelay $0x2  }
0x30: {  	s31 =	sshll.u32 s1, $0xD;
	s1 =	sshrl.u32 s1, $0x2  }
0x31: {  	s3 =	sand.u32 $0x4000, s31;
	s1 =	sadd.s32 s1, s30  }
0x32: {  	s0 =	sor.u32 s3, s0;
	s1 =	sshll.u32 s1, $0x11  }
0x33: {  	s0 =	sor.u32 s1, s0  }
0x34: {  	s0 =	sadd.s32 $0x8F2B, s0  }
0x35: {  	[sflag:s0] =	ssyncadd.remote.s32 $0x1  }
0x36: {  	_ =	sfence.sel $0xFFFF  }
0x37: {  	[dreg:$0x0] =	wrdreg $0xFFFFFFFF;
	(pc) =	sbr.abs _section_cstart, $3  }
0x38: {  	[dreg:$0x1] =	wrdreg $0xFFFFFFFF  }
0x39: {  	_ =	task.clear_ibuf [dreg:s7], $0x2FFFF;
	_ =	strace $0x9FFFFFFF  }
0x3a: {  	(tm) =	ssettm $0x7FFFFFFF  }
0x3b: {  	_ =	shalt  }
tec
execute0_lowered:
.L_overlay_start_1:
0x0: {  	(tag) =	ssettag $0x1  }
0x1: {  	s0 =	srdreg.scid  }
0x2: {  	s1 =	sshll.u32 s0, $0x4  }
0x3: {  	s0 =	stileid.u32;
	s1 =	sand.u32 $0x10, s1  }
0x4: {  	s1 =	sor.u32 s0, s1  }
0x5: {  	s6 =	rddreg [dreg:$0x0];
	s4 =	simm.s32 $0x1;
	s2 =	sshll.u32 s1, $0x7  }
0x6: {  	s7 =	simm.s32 $0x2;
	s12 =	simm.s32 $0x0;
	s1 =	ssub.s32 $0x1000, s2  }
0x7: {  	s8 =	simm.s32 $0x8000;
	s13 =	simm.s32 $0x0;
	s3 =	sand.u32 $0xF80, s1  }
0x8: {  	s9 =	simm.s32 $0x0;
	s5 =	sshrl.u32 s1, $0xC;
	p0 =	sne.s32 s3, $0x0  }
.Ltmp0:
0x9: {  	s1 =	rddreg [dreg:$0x2];
	s4 =	simm.s32 @!p0 $0x0;
	(pc) =	sbr.rel .LBB1_1-.Ltmp0, $4  }
0xa: {  	s11 =	simm.s32 $0x0;
	s3 =	rddreg [dreg:$0x1];
	s5 =	sadd.s32 s4, s5  }
0xb: {  	_ =	strace $0x8000004D;
	s4 =	simm.s32 $0x1;
	s5 =	smul.u32 $0xC8, s5  }
0xc: {  	s6 =	sadd.s32 $0xE00, s6;
	s10 =	smov.u32 s2;
	[sflag:s4] =	ssyncpa.u1 $0x0  }
0xd: {  	p0 =	por $0x0, $0x0;
	[sflag:s7] =	ssyncpa.u1 $0x0;
	s7 =	sor.u32 $0x1, s5  }
.LBB1_4:
0xe: {  	s16 =	sshll.u32 s13, $0x3;
	s17 =	sand.u32 $0x78, s13  }
0xf: {  	s30 =	sand.u32 $0x7E00, s13;
	s12 =	sshll.u32 s12, $0xF;
	s16 =	sand.u32 $0xC00, s16  }
0x10: {  	[tilespmem:s15+$0x810 ss:$0x81] =	vst.msk $0xffff, v2;
	s31 =	sand.u32 $0x7, s13;
	s16 =	sor.u32 s17, s16;
	s17 =	sadd.s32 s3, s30  }
0x11: {  	[tilespmem:s15+$0x1020 ss:$0x81] =	vst.msk $0xffff, v0;
	s13 =	sshll.u32 s31, $0x12;
	s12 =	sadd.s32 s12, s17;
	s16 =	sshrl.u32 s16, $0x3  }
0x12: {  	[tilespmem:s15+$0x0 ss:$0x81] =	vst.msk $0xffff, v1;
	s13 =	sor.u32 $0x400, s13;
	s12 =	sadd.s32 s16, s12  }
0x13: {  	[hbm4b:s12+s13] =	stream.strided.scatter [tilespmem:s14], [sflag:$0x2], $0x2000, s8, s13, $0x20;
	[tilespmem:$0x8080] =	vst v63  }
.LBB1_5:
0x14: {  	s14 =	sadd.s32 $0x1, s9  }
0x15: {  	s12 =	sadd.s32 $0x1000, s10;
	s16 =	smov.u32 s10;
	p2 =	sgt.s32 s14, $0xC7  }
0x16: {  	s16 =	smov.u32 @p2 s12  }
0x17: {  	s14 =	simm.s32 @p2 $0x0;
	p2 =	sgt.s32 s16, $0xFFF  }
0x18: {  	s16 =	smov.u32 @p2 s2;
	p2 =	sne.s32 s11, s7  }
.Ltmp1:
0x19: {  	p1 =	slt.u32 s11, $0x2;
	(pc) =	sbr.rel @!p2 .LBB1_6-.Ltmp1, $4  }
0x1a: {  	s15 =	simm.s32 @!p1 $0x2  }
0x1b: {  	s13 =	smov.u32 s10;
	p0 =	por !p0, !p0;
	_ =	swait.ge @!p1 [sflag:s15], $0x2000  }
0x1c: {  	s12 =	smov.u32 s9;
	[sflag:s15] =	ssyncset.done @!p1 $0x0;
	s9 =	smov.u32 s14  }
0x1d: {  	s11 =	sadd.s32 $0x1, s11;
	[sflag:s15] =	ssyncadd.s32 @!p1 $0xFFFFE000;
	s10 =	smov.u32 s16  }
.LBB1_1:
0x1e: {  	p1 =	sge.u32 s11, s5  }
0x1f: {  	s14 =	sand.u32 @!p1 $0x1FFFFFF, s9  }
0x20: {  	s15 =	smulhi.u32 @!p1 $0x147AE15, s14;
	_ =	sdelay $0x1  }
0x21: {  	s15 =	smul.u32 @!p1 $0xC8, s15  }
0x22: {  	s16 =	sxor.u32 @!p1 $0xFFFFFFFF, s11;
	s17 =	smul.u32 @!p1 $0xC80, s10  }
0x23: {  	s31 =	sadd.s32 $0xFFFFFFFF, s11;
	s16 =	sshll.u32 @!p1 s16, $0xD;
	s14 =	ssub.s32 @!p1 s14, s15  }
0x24: {  	s15 =	sand.u32 @!p1 $0x2000, s16;
	s16 =	sadd.s32 @!p1 s6, s17;
	s14 =	sshll.u32 @!p1 s14, $0x4  }
0x25: {  	s17 =	simm.s32 @!p1 $0x6400;
	s14 =	sadd.s32 @!p1 s14, s16;
	s16 =	simm.s32 @!p1 $0x40  }
0x26: {  	[tilespmem:s15], [sflag:$0x1] =	stream.strided.gather @!p1 [hbm4b:s14+s16], $0x2000, s17, s16, $0x38;
	[tilespmem:$0x8080] =	vst v63  }
0x27: {  	p1 =	sge.u32 s31, s5  }
.Ltmp2:
0x28: {  	_ = 	snop;
	(pc) =	sbr.rel @p1 .LBB1_5-.Ltmp2, $1  }
0x29: {  	_ =	sdelay $0x3  }
0x2a: {  	s14 =	simm.s32 $0x1  }
0x2b: {  	_ =	swait.ge [sflag:s4], $0x2000;
	s14 =	simm.s32 @!p0 $0x0  }
0x2c: {  	[sflag:s4] =	ssyncset.done $0x0;
	s15 =	sshll.u32 s14, $0xD  }
0x2d: {  	[sflag:s4] =	ssyncadd.s32 $0xFFFFE000;
	s18 =	sor.u32 $0x20, s15  }
0x2e: {  	s14 =	smul.u32 $0x8100, s14;
	v3 =	vld [tilespmem:s18+$0x10]  }
0x2f: {  	s30 =	sand.u32 $0x1, s11;
	v2 =	vld [tilespmem:s18+$0xFFFFFFF0]  }
0x30: {  	s15 =	smul.u32 $0x8100, s30;
	s14 =	sshrl.u32 s14, $0x2;
	v0 =	vld [tilespmem:s18+$0x0]  }
0x31: {  	v1 =	vld [tilespmem:s18+$0xFFFFFFE0];
	s16 =	sor.u32 $0x4000, s14  }
0x32: {  	s31 =	sshrl.u32 s15, $0x2;
	s15 =	sadd.s32 $0x0, s16  }
0x33: {  	s17 =	simm.s32 $0x4;
	s18 =	sadd.s32 $0x40, s18;
	s14 =	sor.u32 $0x4000, s31;
	[tilespmem:s15+$0x1830 ss:$0x81] =	vst.msk $0xffff, v3  }
.LBB1_3:
0x34: {  	v3 =	vld [tilespmem:s18+$0x10];
	p1 =	sne.s32 s17, $0x1FC;
	[tilespmem:s15+$0x810 ss:$0x81] =	vst.msk $0xffff, v2;
	s19 =	smov.u32 s17;
	s17 =	sadd.s32 $0x4, s17  }
.Ltmp3:
0x35: {  	v2 =	vld [tilespmem:s18+$0xFFFFFFF0];
	[tilespmem:s15+$0x1020 ss:$0x81] =	vst.msk $0xffff, v0;
	(pc) =	sbr.rel @p1 .LBB1_3-.Ltmp3, $4  }
0x36: {  	v0 =	vld [tilespmem:s18+$0x0];
	[tilespmem:s15+$0x0 ss:$0x81] =	vst.msk $0xffff, v1  }
0x37: {  	s15 =	sshra.s32 s19, $0x2;
	v1 =	vld [tilespmem:s18+$0xFFFFFFE0]  }
0x38: {  	s15 =	sadd.s32 s15, s16  }
0x39: {  	s18 =	sadd.s32 $0x40, s18;
	[tilespmem:s15+$0x1830 ss:$0x81] =	vst.msk $0xffff, v3  }
.Ltmp4:
0x3a: {  	_ = 	snop;
	(pc) =	sbr.rel .LBB1_4-.Ltmp4, $1  }
0x3b: {  	_ =	sdelay $0x3  }
.LBB1_6:
0x3c: {  	_ =	sfence.sel $0x180000  }
0x3d: {  	s2 =	simm.s32 $0x1;
	[bflag:$0x0] =	sbarrier.arrive $0xFFFF  }
0x3e: {  	s31 =	simm.s32 $0x2;
	[sflag:s2] =	ssyncpa.u1 $0x1  }
0x3f: {  	[sflag:s31] =	ssyncpa.u1 $0x1  }
0x40: {  	p0 =	sne.s32 s0, $0x0;
	_ =	strace $0x9000004D  }
0x41: {  	s0 =	sadd.s32 @!p0 $0x100000, s1;
	[bflag:$0x2] =	sbarrier.arrive $0xFFFF  }
0x42: {  	[sflag:s0] =	ssyncadd.tile.s32 @!p0 $0x1;
	_ =	shalt  }
.Lfunc_end1:
_tile_overlayer_lowered:
.L_overlay_start_2:
0x43: {  	(tag) =	ssettag $0x2  }
0x44: {  	s0 =	rddreg [dreg:$0x0];
	s2 =	stileid.u32  }
0x45: {  	s1 =	rddreg [dreg:$0x1];
	p0 =	sne.s32 s2, $0x0  }
0x46: {  	s3 =	rddreg [dreg:$0x2];
	[bflag:$0x3] =	sbarrier.arrive $0xFFFF;
	s2 =	simm.s32 @!p0 $0x1C01  }
0x47: {  	[timem:s3], [sflag:s2] =	dma.local @!p0 [hbm:s0], s1  }
0x48: {  	s0 =	simm.s32 @!p0 $0x1  }
0x49: {  	_ =	swait.ge @!p0 [sflag:s0], s1  }
0x4a: {  	s1 =	ssub.s32 @!p0 $0x0, s1;
	[sflag:s0] =	ssyncset.done @!p0 $0x0  }
0x4b: {  	[sflag:s0] =	ssyncadd.s32 @!p0 s1  }
0x4c: {  	[bflag:$0x3] =	sbarrier.arrive $0xFFFF  }
0x4d: {  	_ =	shalt  }

</sc_bundles>
